<compile_context>
chip_gen: v7x
topology: tpu7x:2x2x1
jax: 0.10.2.dev20260603
libtpu: 0.0.44.dev20260713+nightly
codegen_flags: <defaults>
</compile_context>

<pallas_src>
import functools

import jax
import jax.numpy as jnp
from jax import lax
from jax.experimental import pallas as pl
from jax.experimental.pallas import tpu as pltpu
from jax.experimental.pallas import tpu_sc as plsc

B = 16384
EMB = 64
EMB_HALF = 32
HID = 128
N_USERS = 1000000
N_ITEMS = 100000

NC = 2
NS = 16
NW = NC * NS
BPW = B // NW
CHUNK = 128
NCH = BPW // CHUNK

BLK = 2048
FLW = 16384
HALF = FLW // 2
QTR = FLW // 4


def _flatten_body(tT, eye, o):
    xb = tT[...].astype(jnp.bfloat16)
    vT = lax.dot_general(
        xb, eye[...], (((0,), (0,)), ((), ())),
        preferred_element_type=jnp.float32,
    )
    w = pltpu.bitcast(vT.astype(jnp.bfloat16), jnp.int32)
    o[:, 0:EMB] = w[0:QTR]
    o[:, EMB:128] = w[QTR : 2 * QTR]


@functools.cache
def _make_flatten(n_rows):
    grid = -(-n_rows // FLW)
    return pl.pallas_call(
        _flatten_body,
        grid=(grid,),
        in_specs=[
            pl.BlockSpec((EMB, FLW), lambda i: (0, i)),
            pl.BlockSpec((EMB, EMB), lambda i: (0, 0)),
        ],
        out_specs=pl.BlockSpec((QTR, 128), lambda i: (i, 0)),
        out_shape=jax.ShapeDtypeStruct((grid * QTR, 128), jnp.int32),
    )


def _carrier_slot(r):
    q = r // 2
    l2 = q % (FLW // 2)
    return (q // (FLW // 2)) * (FLW // 2) + 2 * (l2 % QTR) + l2 // QTR


def _mesh():
    return plsc.VectorSubcoreMesh(
        core_axis_name="c", subcore_axis_name="s", num_cores=NC, num_subcores=NS
    )


def _gather_ibc_body(
    i_idx, b_idx, c_idx,
    i_tab, b_tab, c_tab,
    i_out, b_out, c_out,
    i_iv, b_iv, c_iv,
    i_rows, b_rows, c_rows,
    sem,
):
    wid = lax.axis_index("s") * NC + lax.axis_index("c")
    base = wid * BPW

    pltpu.sync_copy(i_idx.at[wid], i_iv)
    pltpu.sync_copy(b_idx.at[wid], b_iv)
    pltpu.sync_copy(c_idx.at[wid], c_iv)

    copies = []
    for j in range(NCH):
        sl = pl.ds(j * CHUNK, CHUNK)
        copies.append(pltpu.async_copy(i_tab.at[i_iv.at[j]], i_rows.at[sl], sem))
        copies.append(pltpu.async_copy(b_tab.at[b_iv.at[j]], b_rows.at[sl], sem))
        copies.append(pltpu.async_copy(c_tab.at[c_iv.at[j]], c_rows.at[sl], sem))
    for cp in copies:
        cp.wait()

    out_sl = pl.ds(base, BPW)
    pltpu.sync_copy(i_rows, i_out.at[out_sl])
    pltpu.sync_copy(b_rows, b_out.at[out_sl])
    pltpu.sync_copy(c_rows, c_out.at[out_sl])


def _gather_u_body(u_idx, u_tab, u_out, u_iv, u_rows, sem):
    wid = lax.axis_index("s") * NC + lax.axis_index("c")
    base = wid * BPW

    pltpu.sync_copy(u_idx.at[wid], u_iv)
    copies = []
    for j in range(NCH):
        sl = pl.ds(j * CHUNK, CHUNK)
        copies.append(pltpu.async_copy(u_tab.at[u_iv.at[j]], u_rows.at[sl], sem))
    for cp in copies:
        cp.wait()
    pltpu.sync_copy(u_rows, u_out.at[pl.ds(base, BPW)])


@functools.cache
def _make_gather_ibc():
    return pl.kernel(
        _gather_ibc_body,
        out_type=(
            jax.ShapeDtypeStruct((B, EMB), jnp.int32),
            jax.ShapeDtypeStruct((B, EMB_HALF), jnp.float32),
            jax.ShapeDtypeStruct((B, EMB_HALF), jnp.float32),
        ),
        mesh=_mesh(),
        scratch_types=[
            pltpu.VMEM((NCH, CHUNK), jnp.int32),
            pltpu.VMEM((NCH, CHUNK), jnp.int32),
            pltpu.VMEM((NCH, CHUNK), jnp.int32),
            pltpu.VMEM((BPW, EMB), jnp.int32),
            pltpu.VMEM((BPW, EMB_HALF), jnp.float32),
            pltpu.VMEM((BPW, EMB_HALF), jnp.float32),
            pltpu.SemaphoreType.DMA,
        ],
        compiler_params=pltpu.CompilerParams(use_tc_tiling_on_sc=False),
    )


@functools.cache
def _make_gather_u():
    return pl.kernel(
        _gather_u_body,
        out_type=jax.ShapeDtypeStruct((B, EMB), jnp.int32),
        mesh=_mesh(),
        scratch_types=[
            pltpu.VMEM((NCH, CHUNK), jnp.int32),
            pltpu.VMEM((BPW, EMB), jnp.int32),
            pltpu.SemaphoreType.DMA,
        ],
        compiler_params=pltpu.CompilerParams(use_tc_tiling_on_sc=False),
    )


def _unpack(w):
    wu = lax.bitcast_convert_type(w, jnp.uint32)
    lo = lax.bitcast_convert_type((wu & 0xFFFF).astype(jnp.uint16), jnp.bfloat16)
    hi = lax.bitcast_convert_type((wu >> 16).astype(jnp.uint16), jnp.bfloat16)
    return lo, hi


def _mlp_body(u, i, b, c, p, upar, ipar, w1u, w1i, w1b, w1c, w1p, b1, w2, b2, o):
    f32 = jnp.float32
    ulo, uhi = _unpack(u[...])
    ilo, ihi = _unpack(i[...])
    ub = jnp.where(upar[...] != 0, uhi, ulo)
    ib = jnp.where(ipar[...] != 0, ihi, ilo)
    h = jnp.dot(ub, w1u[...], preferred_element_type=f32)
    h = h + jnp.dot(ib, w1i[...], preferred_element_type=f32)
    h = h + jnp.dot(b[...].astype(jnp.bfloat16), w1b[...], preferred_element_type=f32)
    h = h + jnp.dot(c[...].astype(jnp.bfloat16), w1c[...], preferred_element_type=f32)
    h = h + p[...] * w1p[...]
    h = h + b1[...]
    h = jnp.maximum(h, 0.0)
    o[...] = jnp.dot(h, w2[...], preferred_element_type=f32) + b2[...]


def _make_mlp(interpret=False):
    rep = lambda idx: (0, 0)
    row = lambda idx: (idx, 0)
    return pl.pallas_call(
        _mlp_body,
        grid=(B // BLK,),
        in_specs=[
            pl.BlockSpec((BLK, EMB), row),
            pl.BlockSpec((BLK, EMB), row),
            pl.BlockSpec((BLK, EMB_HALF), row),
            pl.BlockSpec((BLK, EMB_HALF), row),
            pl.BlockSpec((BLK, 1), row),
            pl.BlockSpec((BLK, 1), row),
            pl.BlockSpec((BLK, 1), row),
            pl.BlockSpec((EMB, HID), rep),
            pl.BlockSpec((EMB, HID), rep),
            pl.BlockSpec((EMB_HALF, HID), rep),
            pl.BlockSpec((EMB_HALF, HID), rep),
            pl.BlockSpec((1, HID), rep),
            pl.BlockSpec((1, HID), rep),
            pl.BlockSpec((HID, 1), rep),
            pl.BlockSpec((1, 1), rep),
        ],
        out_specs=pl.BlockSpec((BLK, 1), row),
        out_shape=jax.ShapeDtypeStruct((B, 1), jnp.float32),
        interpret=interpret,
    )


_mlp = _make_mlp()


def kernel(user, item, brand, category, price, user_emb, item_emb, brand_emb,
           cat_emb, W1, b1, W2, b2):
    u_idx = _carrier_slot(user.astype(jnp.int32)).reshape(NW, NCH, CHUNK)
    i_idx = _carrier_slot(item.astype(jnp.int32)).reshape(NW, NCH, CHUNK)
    b_idx = brand.astype(jnp.int32).reshape(NW, NCH, CHUNK)
    c_idx = category.astype(jnp.int32).reshape(NW, NCH, CHUNK)

    eye = jnp.eye(EMB, dtype=jnp.bfloat16)
    i_carr = _make_flatten(N_ITEMS)(item_emb.T, eye)
    i_tab = i_carr.reshape(i_carr.shape[0] * 2, EMB)
    i, b, c = _make_gather_ibc()(i_idx, b_idx, c_idx, i_tab, brand_emb, cat_emb)

    u_carr = _make_flatten(N_USERS)(user_emb.T, eye)
    u_tab = u_carr.reshape(u_carr.shape[0] * 2, EMB)
    u = _make_gather_u()(u_idx, u_tab)

    bf = jnp.bfloat16
    w1u = W1[:EMB].astype(bf)
    w1i = W1[EMB : 2 * EMB].astype(bf)
    w1b = W1[2 * EMB : 2 * EMB + EMB_HALF].astype(bf)
    w1c = W1[2 * EMB + EMB_HALF : 3 * EMB].astype(bf)
    w1p = W1[3 * EMB :]

    upar = (user.astype(jnp.int32) & 1)[:, None]
    ipar = (item.astype(jnp.int32) & 1)[:, None]
    out = _mlp(
        u, i, b, c, price[:, None], upar, ipar,
        w1u, w1i, w1b, w1c, w1p,
        b1[None, :], W2, b2[None, :],
    )
    return out[:, 0]

# --- scband reference (transcript-rebuilt; emitter-appended) ---
"""Pipeline reference for scband-recommender-nn-66408784330867 (READ-ONLY COPY).

The authoritative reference and input builder live on the scoring server;
editing this copy changes nothing except your own understanding.
"""

import jax, jax.numpy as jnp
import numpy as np

B = 16384
N_USERS = 1000000
N_ITEMS = 100000
N_BRANDS = 1000
N_CATS = 1000
EMB = 64
EMB_HALF = 32
IN_DIM = EMB * 2 + EMB + 1  # 193
HID = 128


def setup_inputs(seed: int = 0):
    key = jax.random.key(seed)
    ks = jax.random.split(key, 12)
    user = jax.random.randint(ks[0], (B,), 0, N_USERS, dtype=jnp.int64) if jax.config.jax_enable_x64 else jax.random.randint(ks[0], (B,), 0, N_USERS)
    item = jax.random.randint(ks[1], (B,), 0, N_ITEMS)
    brand = jax.random.randint(ks[2], (B,), 0, N_BRANDS)
    category = jax.random.randint(ks[3], (B,), 0, N_CATS)
    price = jax.random.uniform(ks[4], (B,), dtype=jnp.float32)
    user_emb = jax.random.normal(ks[5], (N_USERS, EMB), dtype=jnp.float32) * 0.02
    item_emb = jax.random.normal(ks[6], (N_ITEMS, EMB), dtype=jnp.float32) * 0.02
    brand_emb = jax.random.normal(ks[7], (N_BRANDS, EMB_HALF), dtype=jnp.float32) * 0.02
    cat_emb = jax.random.normal(ks[8], (N_CATS, EMB_HALF), dtype=jnp.float32) * 0.02
    W1 = jax.random.normal(ks[9], (IN_DIM, HID), dtype=jnp.float32) * (1.0 / np.sqrt(IN_DIM))
    b1 = jnp.zeros((HID,), dtype=jnp.float32)
    W2 = jax.random.normal(ks[10], (HID, 1), dtype=jnp.float32) * (1.0 / np.sqrt(HID))
    b2 = jnp.zeros((1,), dtype=jnp.float32)
    return {
        'user': user, 'item': item, 'brand': brand, 'category': category,
        'price': price,
        'user_emb': user_emb, 'item_emb': item_emb,
        'brand_emb': brand_emb, 'cat_emb': cat_emb,
        'W1': W1, 'b1': b1, 'W2': W2, 'b2': b2,
    }


def reference(user, item, brand, category, price, user_emb, item_emb, brand_emb, cat_emb, W1, b1, W2, b2):
    u = jnp.take(user_emb, user, axis=0)
    i = jnp.take(item_emb, item, axis=0)
    b = jnp.take(brand_emb, brand, axis=0)
    c = jnp.take(cat_emb, category, axis=0)
    x = jnp.concatenate([u, i, b, c, price[:, None]], axis=1)
    h = jnp.maximum(x @ W1 + b1, 0.0)
    out = h @ W2 + b2
    return out.squeeze(1)

if __name__ == "__main__":
    import jax
    _d = setup_inputs()
    print(jax.jit(kernel)(*tuple(_d.values())))

</pallas_src>

<mosaic_0001>
#map = affine_map<(d0, d1) -> (0, 0, 0)>
#map1 = affine_map<(d0, d1) -> (0, 0)>
module attributes {stable_mosaic.version = 14 : i64} {
  func.func @_gather_ibc_body(%arg0: i32, %arg1: i32, %arg2: memref<32x4x128xi32, #tpu.memory_space<hbm>>, %arg3: memref<32x4x128xi32, #tpu.memory_space<hbm>>, %arg4: memref<32x4x128xi32, #tpu.memory_space<hbm>>, %arg5: memref<57344x64xi32, #tpu.memory_space<hbm>>, %arg6: memref<1000x32xf32, #tpu.memory_space<hbm>>, %arg7: memref<1000x32xf32, #tpu.memory_space<hbm>>, %arg8: memref<16384x64xi32, #tpu.memory_space<hbm>>, %arg9: memref<16384x32xf32, #tpu.memory_space<hbm>>, %arg10: memref<16384x32xf32, #tpu.memory_space<hbm>>, %arg11: memref<4x128xi32, #tpu.memory_space<vmem>>, %arg12: memref<4x128xi32, #tpu.memory_space<vmem>>, %arg13: memref<4x128xi32, #tpu.memory_space<vmem>>, %arg14: memref<512x64xi32, #tpu.memory_space<vmem>>, %arg15: memref<512x32xf32, #tpu.memory_space<vmem>>, %arg16: memref<512x32xf32, #tpu.memory_space<vmem>>, %arg17: memref<!tpu.dma_semaphore, #tpu.memory_space<semaphore_mem>>) attributes {dimension_semantics = [#tpu.dimension_semantics<core_parallel>, #tpu.dimension_semantics<subcore_parallel>], iteration_bounds = array<i64: 2, 16>, scalar_prefetch = 0 : i64, scratch_operands = 7 : i64, tpu.core_type = #tpu.core_type<sc_vector_subcore>, window_params = [{transform_indices = #map}, {transform_indices = #map}, {transform_indices = #map}, {transform_indices = #map1}, {transform_indices = #map1}, {transform_indices = #map1}, {transform_indices = #map1}, {transform_indices = #map1}, {transform_indices = #map1}]} {
    %mul3A = arith.constant 2 : i32
    %mul3A_0 = arith.muli %arg1, %mul3A : i32
    %add3A = arith.addi %mul3A_0, %arg0 : i32
    %mul3A_1 = arith.constant 512 : i32
    %mul3A_2 = arith.muli %add3A, %mul3A_1 : i32
    "tpu.region"() ({
      %run_scoped3A = tpu.sem_alloc : memref<!tpu.dma_semaphore, #tpu.memory_space<semaphore_mem>>
      %dma_start3A_241 = arith.constant 0 : i32
      %dma_start3A_242 = arith.constant 0 : i32
      %dma_start3A_243 = tpu.memref_slice %arg2[%add3A, %dma_start3A_241, %dma_start3A_242] : memref<32x4x128xi32, #tpu.memory_space<hbm>> -> memref<1x4x128xi32, #tpu.memory_space<hbm>>
      %dma_start3A_244 = tpu.memref_squeeze %dma_start3A_243 : memref<1x4x128xi32, #tpu.memory_space<hbm>> -> memref<4x128xi32, #tpu.memory_space<hbm>>
      %dma_start3A_245 = arith.constant 0 : i32
      %dma_start3A_246 = arith.constant 0 : i32
      %dma_start3A_247 = tpu.memref_slice %arg2[%add3A, %dma_start3A_245, %dma_start3A_246] : memref<32x4x128xi32, #tpu.memory_space<hbm>> -> memref<1x4x128xi32, #tpu.memory_space<hbm>>
      %dma_start3A_248 = tpu.memref_squeeze %dma_start3A_247 : memref<1x4x128xi32, #tpu.memory_space<hbm>> -> memref<4x128xi32, #tpu.memory_space<hbm>>
      tpu.enqueue_dma source(%dma_start3A_248 : memref<4x128xi32, #tpu.memory_space<hbm>>) target(%arg11 : memref<4x128xi32, #tpu.memory_space<vmem>>) target_semaphore(%run_scoped3A : memref<!tpu.dma_semaphore, #tpu.memory_space<semaphore_mem>>)
      %dma_wait3A_249 = arith.constant 0 : i32
      %dma_wait3A_250 = arith.constant 0 : i32
      %dma_wait3A_251 = tpu.memref_slice %arg2[%add3A, %dma_wait3A_249, %dma_wait3A_250] : memref<32x4x128xi32, #tpu.memory_space<hbm>> -> memref<1x4x128xi32, #tpu.memory_space<hbm>>
      %dma_wait3A_252 = tpu.memref_squeeze %dma_wait3A_251 : memref<1x4x128xi32, #tpu.memory_space<hbm>> -> memref<4x128xi32, #tpu.memory_space<hbm>>
      %dma_wait3A_253 = arith.constant 0 : i32
      %dma_wait3A_254 = arith.constant 0 : i32
      %dma_wait3A_255 = tpu.memref_slice %arg2[%add3A, %dma_wait3A_253, %dma_wait3A_254] : memref<32x4x128xi32, #tpu.memory_space<hbm>> -> memref<1x4x128xi32, #tpu.memory_space<hbm>>
      %dma_wait3A_256 = tpu.memref_squeeze %dma_wait3A_255 : memref<1x4x128xi32, #tpu.memory_space<hbm>> -> memref<4x128xi32, #tpu.memory_space<hbm>>
      tpu.wait_dma2 semaphore(%run_scoped3A : memref<!tpu.dma_semaphore, #tpu.memory_space<semaphore_mem>>) src(%dma_wait3A_256 : memref<4x128xi32, #tpu.memory_space<hbm>>) dst(%arg11 : memref<4x128xi32, #tpu.memory_space<vmem>>)
      tpu.yield
    }) : () -> ()
    "tpu.region"() ({
      %run_scoped3A = tpu.sem_alloc : memref<!tpu.dma_semaphore, #tpu.memory_space<semaphore_mem>>
      %dma_start3A_241 = arith.constant 0 : i32
      %dma_start3A_242 = arith.constant 0 : i32
      %dma_start3A_243 = tpu.memref_slice %arg3[%add3A, %dma_start3A_241, %dma_start3A_242] : memref<32x4x128xi32, #tpu.memory_space<hbm>> -> memref<1x4x128xi32, #tpu.memory_space<hbm>>
      %dma_start3A_244 = tpu.memref_squeeze %dma_start3A_243 : memref<1x4x128xi32, #tpu.memory_space<hbm>> -> memref<4x128xi32, #tpu.memory_space<hbm>>
      %dma_start3A_245 = arith.constant 0 : i32
      %dma_start3A_246 = arith.constant 0 : i32
      %dma_start3A_247 = tpu.memref_slice %arg3[%add3A, %dma_start3A_245, %dma_start3A_246] : memref<32x4x128xi32, #tpu.memory_space<hbm>> -> memref<1x4x128xi32, #tpu.memory_space<hbm>>
      %dma_start3A_248 = tpu.memref_squeeze %dma_start3A_247 : memref<1x4x128xi32, #tpu.memory_space<hbm>> -> memref<4x128xi32, #tpu.memory_space<hbm>>
      tpu.enqueue_dma source(%dma_start3A_248 : memref<4x128xi32, #tpu.memory_space<hbm>>) target(%arg12 : memref<4x128xi32, #tpu.memory_space<vmem>>) target_semaphore(%run_scoped3A : memref<!tpu.dma_semaphore, #tpu.memory_space<semaphore_mem>>)
      %dma_wait3A_249 = arith.constant 0 : i32
      %dma_wait3A_250 = arith.constant 0 : i32
      %dma_wait3A_251 = tpu.memref_slice %arg3[%add3A, %dma_wait3A_249, %dma_wait3A_250] : memref<32x4x128xi32, #tpu.memory_space<hbm>> -> memref<1x4x128xi32, #tpu.memory_space<hbm>>
      %dma_wait3A_252 = tpu.memref_squeeze %dma_wait3A_251 : memref<1x4x128xi32, #tpu.memory_space<hbm>> -> memref<4x128xi32, #tpu.memory_space<hbm>>
      %dma_wait3A_253 = arith.constant 0 : i32
      %dma_wait3A_254 = arith.constant 0 : i32
      %dma_wait3A_255 = tpu.memref_slice %arg3[%add3A, %dma_wait3A_253, %dma_wait3A_254] : memref<32x4x128xi32, #tpu.memory_space<hbm>> -> memref<1x4x128xi32, #tpu.memory_space<hbm>>
      %dma_wait3A_256 = tpu.memref_squeeze %dma_wait3A_255 : memref<1x4x128xi32, #tpu.memory_space<hbm>> -> memref<4x128xi32, #tpu.memory_space<hbm>>
      tpu.wait_dma2 semaphore(%run_scoped3A : memref<!tpu.dma_semaphore, #tpu.memory_space<semaphore_mem>>) src(%dma_wait3A_256 : memref<4x128xi32, #tpu.memory_space<hbm>>) dst(%arg12 : memref<4x128xi32, #tpu.memory_space<vmem>>)
      tpu.yield
    }) : () -> ()
    "tpu.region"() ({
      %run_scoped3A = tpu.sem_alloc : memref<!tpu.dma_semaphore, #tpu.memory_space<semaphore_mem>>
      %dma_start3A_241 = arith.constant 0 : i32
      %dma_start3A_242 = arith.constant 0 : i32
      %dma_start3A_243 = tpu.memref_slice %arg4[%add3A, %dma_start3A_241, %dma_start3A_242] : memref<32x4x128xi32, #tpu.memory_space<hbm>> -> memref<1x4x128xi32, #tpu.memory_space<hbm>>
      %dma_start3A_244 = tpu.memref_squeeze %dma_start3A_243 : memref<1x4x128xi32, #tpu.memory_space<hbm>> -> memref<4x128xi32, #tpu.memory_space<hbm>>
      %dma_start3A_245 = arith.constant 0 : i32
      %dma_start3A_246 = arith.constant 0 : i32
      %dma_start3A_247 = tpu.memref_slice %arg4[%add3A, %dma_start3A_245, %dma_start3A_246] : memref<32x4x128xi32, #tpu.memory_space<hbm>> -> memref<1x4x128xi32, #tpu.memory_space<hbm>>
      %dma_start3A_248 = tpu.memref_squeeze %dma_start3A_247 : memref<1x4x128xi32, #tpu.memory_space<hbm>> -> memref<4x128xi32, #tpu.memory_space<hbm>>
      tpu.enqueue_dma source(%dma_start3A_248 : memref<4x128xi32, #tpu.memory_space<hbm>>) target(%arg13 : memref<4x128xi32, #tpu.memory_space<vmem>>) target_semaphore(%run_scoped3A : memref<!tpu.dma_semaphore, #tpu.memory_space<semaphore_mem>>)
      %dma_wait3A_249 = arith.constant 0 : i32
      %dma_wait3A_250 = arith.constant 0 : i32
      %dma_wait3A_251 = tpu.memref_slice %arg4[%add3A, %dma_wait3A_249, %dma_wait3A_250] : memref<32x4x128xi32, #tpu.memory_space<hbm>> -> memref<1x4x128xi32, #tpu.memory_space<hbm>>
      %dma_wait3A_252 = tpu.memref_squeeze %dma_wait3A_251 : memref<1x4x128xi32, #tpu.memory_space<hbm>> -> memref<4x128xi32, #tpu.memory_space<hbm>>
      %dma_wait3A_253 = arith.constant 0 : i32
      %dma_wait3A_254 = arith.constant 0 : i32
      %dma_wait3A_255 = tpu.memref_slice %arg4[%add3A, %dma_wait3A_253, %dma_wait3A_254] : memref<32x4x128xi32, #tpu.memory_space<hbm>> -> memref<1x4x128xi32, #tpu.memory_space<hbm>>
      %dma_wait3A_256 = tpu.memref_squeeze %dma_wait3A_255 : memref<1x4x128xi32, #tpu.memory_space<hbm>> -> memref<4x128xi32, #tpu.memory_space<hbm>>
      tpu.wait_dma2 semaphore(%run_scoped3A : memref<!tpu.dma_semaphore, #tpu.memory_space<semaphore_mem>>) src(%dma_wait3A_256 : memref<4x128xi32, #tpu.memory_space<hbm>>) dst(%arg13 : memref<4x128xi32, #tpu.memory_space<vmem>>)
      tpu.yield
    }) : () -> ()
    %dma_start3A = arith.constant 0 : i32
    %dma_start3A_3 = arith.constant 0 : i32
    %dma_start3A_4 = arith.constant 0 : i32
    %dma_start3A_5 = tpu.memref_slice %arg14[%dma_start3A_3, %dma_start3A_4] : memref<512x64xi32, #tpu.memory_space<vmem>> -> memref<128x64xi32, #tpu.memory_space<vmem>>
    %dma_start3A_6 = arith.constant 0 : i32
    %dma_start3A_7 = tpu.memref_slice %arg11[%dma_start3A, %dma_start3A_6] : memref<4x128xi32, #tpu.memory_space<vmem>> -> memref<1x128xi32, #tpu.memory_space<vmem>>
    %dma_start3A_8 = tpu.memref_squeeze %dma_start3A_7 : memref<1x128xi32, #tpu.memory_space<vmem>> -> memref<128xi32, #tpu.memory_space<vmem>>
    %dma_start3A_9 = arith.constant 0 : i32
    %dma_start3A_10 = arith.constant 0 : i32
    %dma_start3A_11 = tpu.memref_slice %arg5[%dma_start3A_9, %dma_start3A_10] : memref<57344x64xi32, #tpu.memory_space<hbm>> -> memref<57344x64xi32, #tpu.memory_space<hbm>>
    tpu.enqueue_indirect_dma source(%dma_start3A_11 : memref<57344x64xi32, #tpu.memory_space<hbm>>) target(%dma_start3A_5 : memref<128x64xi32, #tpu.memory_space<vmem>>) offsets(%dma_start3A_8 : memref<128xi32, #tpu.memory_space<vmem>>) semaphore(%arg17 : memref<!tpu.dma_semaphore, #tpu.memory_space<semaphore_mem>>)
    %dma_start3A_12 = arith.constant 0 : i32
    %dma_start3A_13 = arith.constant 0 : i32
    %dma_start3A_14 = arith.constant 0 : i32
    %dma_start3A_15 = tpu.memref_slice %arg15[%dma_start3A_13, %dma_start3A_14] : memref<512x32xf32, #tpu.memory_space<vmem>> -> memref<128x32xf32, #tpu.memory_space<vmem>>
    %dma_start3A_16 = arith.constant 0 : i32
    %dma_start3A_17 = tpu.memref_slice %arg12[%dma_start3A_12, %dma_start3A_16] : memref<4x128xi32, #tpu.memory_space<vmem>> -> memref<1x128xi32, #tpu.memory_space<vmem>>
    %dma_start3A_18 = tpu.memref_squeeze %dma_start3A_17 : memref<1x128xi32, #tpu.memory_space<vmem>> -> memref<128xi32, #tpu.memory_space<vmem>>
    %dma_start3A_19 = arith.constant 0 : i32
    %dma_start3A_20 = arith.constant 0 : i32
    %dma_start3A_21 = tpu.memref_slice %arg6[%dma_start3A_19, %dma_start3A_20] : memref<1000x32xf32, #tpu.memory_space<hbm>> -> memref<1000x32xf32, #tpu.memory_space<hbm>>
    tpu.enqueue_indirect_dma source(%dma_start3A_21 : memref<1000x32xf32, #tpu.memory_space<hbm>>) target(%dma_start3A_15 : memref<128x32xf32, #tpu.memory_space<vmem>>) offsets(%dma_start3A_18 : memref<128xi32, #tpu.memory_space<vmem>>) semaphore(%arg17 : memref<!tpu.dma_semaphore, #tpu.memory_space<semaphore_mem>>)
    %dma_start3A_22 = arith.constant 0 : i32
    %dma_start3A_23 = arith.constant 0 : i32
    %dma_start3A_24 = arith.constant 0 : i32
    %dma_start3A_25 = tpu.memref_slice %arg16[%dma_start3A_23, %dma_start3A_24] : memref<512x32xf32, #tpu.memory_space<vmem>> -> memref<128x32xf32, #tpu.memory_space<vmem>>
    %dma_start3A_26 = arith.constant 0 : i32
    %dma_start3A_27 = tpu.memref_slice %arg13[%dma_start3A_22, %dma_start3A_26] : memref<4x128xi32, #tpu.memory_space<vmem>> -> memref<1x128xi32, #tpu.memory_space<vmem>>
    %dma_start3A_28 = tpu.memref_squeeze %dma_start3A_27 : memref<1x128xi32, #tpu.memory_space<vmem>> -> memref<128xi32, #tpu.memory_space<vmem>>
    %dma_start3A_29 = arith.constant 0 : i32
    %dma_start3A_30 = arith.constant 0 : i32
    %dma_start3A_31 = tpu.memref_slice %arg7[%dma_start3A_29, %dma_start3A_30] : memref<1000x32xf32, #tpu.memory_space<hbm>> -> memref<1000x32xf32, #tpu.memory_space<hbm>>
    tpu.enqueue_indirect_dma source(%dma_start3A_31 : memref<1000x32xf32, #tpu.memory_space<hbm>>) target(%dma_start3A_25 : memref<128x32xf32, #tpu.memory_space<vmem>>) offsets(%dma_start3A_28 : memref<128xi32, #tpu.memory_space<vmem>>) semaphore(%arg17 : memref<!tpu.dma_semaphore, #tpu.memory_space<semaphore_mem>>)
    %dma_start3A_32 = arith.constant 1 : i32
    %dma_start3A_33 = arith.constant 128 : i32
    %dma_start3A_34 = arith.constant 0 : i32
    %dma_start3A_35 = tpu.memref_slice %arg14[%dma_start3A_33, %dma_start3A_34] : memref<512x64xi32, #tpu.memory_space<vmem>> -> memref<128x64xi32, #tpu.memory_space<vmem>>
    %dma_start3A_36 = arith.constant 0 : i32
    %dma_start3A_37 = tpu.memref_slice %arg11[%dma_start3A_32, %dma_start3A_36] : memref<4x128xi32, #tpu.memory_space<vmem>> -> memref<1x128xi32, #tpu.memory_space<vmem>>
    %dma_start3A_38 = tpu.memref_squeeze %dma_start3A_37 : memref<1x128xi32, #tpu.memory_space<vmem>> -> memref<128xi32, #tpu.memory_space<vmem>>
    %dma_start3A_39 = arith.constant 0 : i32
    %dma_start3A_40 = arith.constant 0 : i32
    %dma_start3A_41 = tpu.memref_slice %arg5[%dma_start3A_39, %dma_start3A_40] : memref<57344x64xi32, #tpu.memory_space<hbm>> -> memref<57344x64xi32, #tpu.memory_space<hbm>>
    tpu.enqueue_indirect_dma source(%dma_start3A_41 : memref<57344x64xi32, #tpu.memory_space<hbm>>) target(%dma_start3A_35 : memref<128x64xi32, #tpu.memory_space<vmem>>) offsets(%dma_start3A_38 : memref<128xi32, #tpu.memory_space<vmem>>) semaphore(%arg17 : memref<!tpu.dma_semaphore, #tpu.memory_space<semaphore_mem>>)
    %dma_start3A_42 = arith.constant 1 : i32
    %dma_start3A_43 = arith.constant 128 : i32
    %dma_start3A_44 = arith.constant 0 : i32
    %dma_start3A_45 = tpu.memref_slice %arg15[%dma_start3A_43, %dma_start3A_44] : memref<512x32xf32, #tpu.memory_space<vmem>> -> memref<128x32xf32, #tpu.memory_space<vmem>>
    %dma_start3A_46 = arith.constant 0 : i32
    %dma_start3A_47 = tpu.memref_slice %arg12[%dma_start3A_42, %dma_start3A_46] : memref<4x128xi32, #tpu.memory_space<vmem>> -> memref<1x128xi32, #tpu.memory_space<vmem>>
    %dma_start3A_48 = tpu.memref_squeeze %dma_start3A_47 : memref<1x128xi32, #tpu.memory_space<vmem>> -> memref<128xi32, #tpu.memory_space<vmem>>
    %dma_start3A_49 = arith.constant 0 : i32
    %dma_start3A_50 = arith.constant 0 : i32
    %dma_start3A_51 = tpu.memref_slice %arg6[%dma_start3A_49, %dma_start3A_50] : memref<1000x32xf32, #tpu.memory_space<hbm>> -> memref<1000x32xf32, #tpu.memory_space<hbm>>
    tpu.enqueue_indirect_dma source(%dma_start3A_51 : memref<1000x32xf32, #tpu.memory_space<hbm>>) target(%dma_start3A_45 : memref<128x32xf32, #tpu.memory_space<vmem>>) offsets(%dma_start3A_48 : memref<128xi32, #tpu.memory_space<vmem>>) semaphore(%arg17 : memref<!tpu.dma_semaphore, #tpu.memory_space<semaphore_mem>>)
    %dma_start3A_52 = arith.constant 1 : i32
    %dma_start3A_53 = arith.constant 128 : i32
    %dma_start3A_54 = arith.constant 0 : i32
    %dma_start3A_55 = tpu.memref_slice %arg16[%dma_start3A_53, %dma_start3A_54] : memref<512x32xf32, #tpu.memory_space<vmem>> -> memref<128x32xf32, #tpu.memory_space<vmem>>
    %dma_start3A_56 = arith.constant 0 : i32
    %dma_start3A_57 = tpu.memref_slice %arg13[%dma_start3A_52, %dma_start3A_56] : memref<4x128xi32, #tpu.memory_space<vmem>> -> memref<1x128xi32, #tpu.memory_space<vmem>>
    %dma_start3A_58 = tpu.memref_squeeze %dma_start3A_57 : memref<1x128xi32, #tpu.memory_space<vmem>> -> memref<128xi32, #tpu.memory_space<vmem>>
    %dma_start3A_59 = arith.constant 0 : i32
    %dma_start3A_60 = arith.constant 0 : i32
    %dma_start3A_61 = tpu.memref_slice %arg7[%dma_start3A_59, %dma_start3A_60] : memref<1000x32xf32, #tpu.memory_space<hbm>> -> memref<1000x32xf32, #tpu.memory_space<hbm>>
    tpu.enqueue_indirect_dma source(%dma_start3A_61 : memref<1000x32xf32, #tpu.memory_space<hbm>>) target(%dma_start3A_55 : memref<128x32xf32, #tpu.memory_space<vmem>>) offsets(%dma_start3A_58 : memref<128xi32, #tpu.memory_space<vmem>>) semaphore(%arg17 : memref<!tpu.dma_semaphore, #tpu.memory_space<semaphore_mem>>)
    %dma_start3A_62 = arith.constant 2 : i32
    %dma_start3A_63 = arith.constant 256 : i32
    %dma_start3A_64 = arith.constant 0 : i32
    %dma_start3A_65 = tpu.memref_slice %arg14[%dma_start3A_63, %dma_start3A_64] : memref<512x64xi32, #tpu.memory_space<vmem>> -> memref<128x64xi32, #tpu.memory_space<vmem>>
    %dma_start3A_66 = arith.constant 0 : i32
    %dma_start3A_67 = tpu.memref_slice %arg11[%dma_start3A_62, %dma_start3A_66] : memref<4x128xi32, #tpu.memory_space<vmem>> -> memref<1x128xi32, #tpu.memory_space<vmem>>
    %dma_start3A_68 = tpu.memref_squeeze %dma_start3A_67 : memref<1x128xi32, #tpu.memory_space<vmem>> -> memref<128xi32, #tpu.memory_space<vmem>>
    %dma_start3A_69 = arith.constant 0 : i32
    %dma_start3A_70 = arith.constant 0 : i32
    %dma_start3A_71 = tpu.memref_slice %arg5[%dma_start3A_69, %dma_start3A_70] : memref<57344x64xi32, #tpu.memory_space<hbm>> -> memref<57344x64xi32, #tpu.memory_space<hbm>>
    tpu.enqueue_indirect_dma source(%dma_start3A_71 : memref<57344x64xi32, #tpu.memory_space<hbm>>) target(%dma_start3A_65 : memref<128x64xi32, #tpu.memory_space<vmem>>) offsets(%dma_start3A_68 : memref<128xi32, #tpu.memory_space<vmem>>) semaphore(%arg17 : memref<!tpu.dma_semaphore, #tpu.memory_space<semaphore_mem>>)
    %dma_start3A_72 = arith.constant 2 : i32
    %dma_start3A_73 = arith.constant 256 : i32
    %dma_start3A_74 = arith.constant 0 : i32
    %dma_start3A_75 = tpu.memref_slice %arg15[%dma_start3A_73, %dma_start3A_74] : memref<512x32xf32, #tpu.memory_space<vmem>> -> memref<128x32xf32, #tpu.memory_space<vmem>>
    %dma_start3A_76 = arith.constant 0 : i32
    %dma_start3A_77 = tpu.memref_slice %arg12[%dma_start3A_72, %dma_start3A_76] : memref<4x128xi32, #tpu.memory_space<vmem>> -> memref<1x128xi32, #tpu.memory_space<vmem>>
    %dma_start3A_78 = tpu.memref_squeeze %dma_start3A_77 : memref<1x128xi32, #tpu.memory_space<vmem>> -> memref<128xi32, #tpu.memory_space<vmem>>
    %dma_start3A_79 = arith.constant 0 : i32
    %dma_start3A_80 = arith.constant 0 : i32
    %dma_start3A_81 = tpu.memref_slice %arg6[%dma_start3A_79, %dma_start3A_80] : memref<1000x32xf32, #tpu.memory_space<hbm>> -> memref<1000x32xf32, #tpu.memory_space<hbm>>
    tpu.enqueue_indirect_dma source(%dma_start3A_81 : memref<1000x32xf32, #tpu.memory_space<hbm>>) target(%dma_start3A_75 : memref<128x32xf32, #tpu.memory_space<vmem>>) offsets(%dma_start3A_78 : memref<128xi32, #tpu.memory_space<vmem>>) semaphore(%arg17 : memref<!tpu.dma_semaphore, #tpu.memory_space<semaphore_mem>>)
    %dma_start3A_82 = arith.constant 2 : i32
    %dma_start3A_83 = arith.constant 256 : i32
    %dma_start3A_84 = arith.constant 0 : i32
    %dma_start3A_85 = tpu.memref_slice %arg16[%dma_start3A_83, %dma_start3A_84] : memref<512x32xf32, #tpu.memory_space<vmem>> -> memref<128x32xf32, #tpu.memory_space<vmem>>
    %dma_start3A_86 = arith.constant 0 : i32
    %dma_start3A_87 = tpu.memref_slice %arg13[%dma_start3A_82, %dma_start3A_86] : memref<4x128xi32, #tpu.memory_space<vmem>> -> memref<1x128xi32, #tpu.memory_space<vmem>>
    %dma_start3A_88 = tpu.memref_squeeze %dma_start3A_87 : memref<1x128xi32, #tpu.memory_space<vmem>> -> memref<128xi32, #tpu.memory_space<vmem>>
    %dma_start3A_89 = arith.constant 0 : i32
    %dma_start3A_90 = arith.constant 0 : i32
    %dma_start3A_91 = tpu.memref_slice %arg7[%dma_start3A_89, %dma_start3A_90] : memref<1000x32xf32, #tpu.memory_space<hbm>> -> memref<1000x32xf32, #tpu.memory_space<hbm>>
    tpu.enqueue_indirect_dma source(%dma_start3A_91 : memref<1000x32xf32, #tpu.memory_space<hbm>>) target(%dma_start3A_85 : memref<128x32xf32, #tpu.memory_space<vmem>>) offsets(%dma_start3A_88 : memref<128xi32, #tpu.memory_space<vmem>>) semaphore(%arg17 : memref<!tpu.dma_semaphore, #tpu.memory_space<semaphore_mem>>)
    %dma_start3A_92 = arith.constant 3 : i32
    %dma_start3A_93 = arith.constant 384 : i32
    %dma_start3A_94 = arith.constant 0 : i32
    %dma_start3A_95 = tpu.memref_slice %arg14[%dma_start3A_93, %dma_start3A_94] : memref<512x64xi32, #tpu.memory_space<vmem>> -> memref<128x64xi32, #tpu.memory_space<vmem>>
    %dma_start3A_96 = arith.constant 0 : i32
    %dma_start3A_97 = tpu.memref_slice %arg11[%dma_start3A_92, %dma_start3A_96] : memref<4x128xi32, #tpu.memory_space<vmem>> -> memref<1x128xi32, #tpu.memory_space<vmem>>
    %dma_start3A_98 = tpu.memref_squeeze %dma_start3A_97 : memref<1x128xi32, #tpu.memory_space<vmem>> -> memref<128xi32, #tpu.memory_space<vmem>>
    %dma_start3A_99 = arith.constant 0 : i32
    %dma_start3A_100 = arith.constant 0 : i32
    %dma_start3A_101 = tpu.memref_slice %arg5[%dma_start3A_99, %dma_start3A_100] : memref<57344x64xi32, #tpu.memory_space<hbm>> -> memref<57344x64xi32, #tpu.memory_space<hbm>>
    tpu.enqueue_indirect_dma source(%dma_start3A_101 : memref<57344x64xi32, #tpu.memory_space<hbm>>) target(%dma_start3A_95 : memref<128x64xi32, #tpu.memory_space<vmem>>) offsets(%dma_start3A_98 : memref<128xi32, #tpu.memory_space<vmem>>) semaphore(%arg17 : memref<!tpu.dma_semaphore, #tpu.memory_space<semaphore_mem>>)
    %dma_start3A_102 = arith.constant 3 : i32
    %dma_start3A_103 = arith.constant 384 : i32
    %dma_start3A_104 = arith.constant 0 : i32
    %dma_start3A_105 = tpu.memref_slice %arg15[%dma_start3A_103, %dma_start3A_104] : memref<512x32xf32, #tpu.memory_space<vmem>> -> memref<128x32xf32, #tpu.memory_space<vmem>>
    %dma_start3A_106 = arith.constant 0 : i32
    %dma_start3A_107 = tpu.memref_slice %arg12[%dma_start3A_102, %dma_start3A_106] : memref<4x128xi32, #tpu.memory_space<vmem>> -> memref<1x128xi32, #tpu.memory_space<vmem>>
    %dma_start3A_108 = tpu.memref_squeeze %dma_start3A_107 : memref<1x128xi32, #tpu.memory_space<vmem>> -> memref<128xi32, #tpu.memory_space<vmem>>
    %dma_start3A_109 = arith.constant 0 : i32
    %dma_start3A_110 = arith.constant 0 : i32
    %dma_start3A_111 = tpu.memref_slice %arg6[%dma_start3A_109, %dma_start3A_110] : memref<1000x32xf32, #tpu.memory_space<hbm>> -> memref<1000x32xf32, #tpu.memory_space<hbm>>
    tpu.enqueue_indirect_dma source(%dma_start3A_111 : memref<1000x32xf32, #tpu.memory_space<hbm>>) target(%dma_start3A_105 : memref<128x32xf32, #tpu.memory_space<vmem>>) offsets(%dma_start3A_108 : memref<128xi32, #tpu.memory_space<vmem>>) semaphore(%arg17 : memref<!tpu.dma_semaphore, #tpu.memory_space<semaphore_mem>>)
    %dma_start3A_112 = arith.constant 3 : i32
    %dma_start3A_113 = arith.constant 384 : i32
    %dma_start3A_114 = arith.constant 0 : i32
    %dma_start3A_115 = tpu.memref_slice %arg16[%dma_start3A_113, %dma_start3A_114] : memref<512x32xf32, #tpu.memory_space<vmem>> -> memref<128x32xf32, #tpu.memory_space<vmem>>
    %dma_start3A_116 = arith.constant 0 : i32
    %dma_start3A_117 = tpu.memref_slice %arg13[%dma_start3A_112, %dma_start3A_116] : memref<4x128xi32, #tpu.memory_space<vmem>> -> memref<1x128xi32, #tpu.memory_space<vmem>>
    %dma_start3A_118 = tpu.memref_squeeze %dma_start3A_117 : memref<1x128xi32, #tpu.memory_space<vmem>> -> memref<128xi32, #tpu.memory_space<vmem>>
    %dma_start3A_119 = arith.constant 0 : i32
    %dma_start3A_120 = arith.constant 0 : i32
    %dma_start3A_121 = tpu.memref_slice %arg7[%dma_start3A_119, %dma_start3A_120] : memref<1000x32xf32, #tpu.memory_space<hbm>> -> memref<1000x32xf32, #tpu.memory_space<hbm>>
    tpu.enqueue_indirect_dma source(%dma_start3A_121 : memref<1000x32xf32, #tpu.memory_space<hbm>>) target(%dma_start3A_115 : memref<128x32xf32, #tpu.memory_space<vmem>>) offsets(%dma_start3A_118 : memref<128xi32, #tpu.memory_space<vmem>>) semaphore(%arg17 : memref<!tpu.dma_semaphore, #tpu.memory_space<semaphore_mem>>)
    %dma_wait3A = arith.constant 0 : i32
    %dma_wait3A_122 = arith.constant 0 : i32
    %dma_wait3A_123 = arith.constant 0 : i32
    %dma_wait3A_124 = tpu.memref_slice %arg14[%dma_wait3A_122, %dma_wait3A_123] : memref<512x64xi32, #tpu.memory_space<vmem>> -> memref<128x64xi32, #tpu.memory_space<vmem>>
    %dma_wait3A_125 = arith.constant 0 : i32
    %dma_wait3A_126 = tpu.memref_slice %arg11[%dma_wait3A, %dma_wait3A_125] : memref<4x128xi32, #tpu.memory_space<vmem>> -> memref<1x128xi32, #tpu.memory_space<vmem>>
    %dma_wait3A_127 = tpu.memref_squeeze %dma_wait3A_126 : memref<1x128xi32, #tpu.memory_space<vmem>> -> memref<128xi32, #tpu.memory_space<vmem>>
    %dma_wait3A_128 = arith.constant 0 : i32
    %dma_wait3A_129 = arith.constant 0 : i32
    %dma_wait3A_130 = tpu.memref_slice %arg5[%dma_wait3A_128, %dma_wait3A_129] : memref<57344x64xi32, #tpu.memory_space<hbm>> -> memref<57344x64xi32, #tpu.memory_space<hbm>>
    tpu.wait_indirect_dma semaphore(%arg17 : memref<!tpu.dma_semaphore, #tpu.memory_space<semaphore_mem>>) src(%dma_wait3A_130 : memref<57344x64xi32, #tpu.memory_space<hbm>>) dst(%dma_wait3A_124 : memref<128x64xi32, #tpu.memory_space<vmem>>)
    %dma_wait3A_131 = arith.constant 0 : i32
    %dma_wait3A_132 = arith.constant 0 : i32
    %dma_wait3A_133 = arith.constant 0 : i32
    %dma_wait3A_134 = tpu.memref_slice %arg15[%dma_wait3A_132, %dma_wait3A_133] : memref<512x32xf32, #tpu.memory_space<vmem>> -> memref<128x32xf32, #tpu.memory_space<vmem>>
    %dma_wait3A_135 = arith.constant 0 : i32
    %dma_wait3A_136 = tpu.memref_slice %arg12[%dma_wait3A_131, %dma_wait3A_135] : memref<4x128xi32, #tpu.memory_space<vmem>> -> memref<1x128xi32, #tpu.memory_space<vmem>>
    %dma_wait3A_137 = tpu.memref_squeeze %dma_wait3A_136 : memref<1x128xi32, #tpu.memory_space<vmem>> -> memref<128xi32, #tpu.memory_space<vmem>>
    %dma_wait3A_138 = arith.constant 0 : i32
    %dma_wait3A_139 = arith.constant 0 : i32
    %dma_wait3A_140 = tpu.memref_slice %arg6[%dma_wait3A_138, %dma_wait3A_139] : memref<1000x32xf32, #tpu.memory_space<hbm>> -> memref<1000x32xf32, #tpu.memory_space<hbm>>
    tpu.wait_indirect_dma semaphore(%arg17 : memref<!tpu.dma_semaphore, #tpu.memory_space<semaphore_mem>>) src(%dma_wait3A_140 : memref<1000x32xf32, #tpu.memory_space<hbm>>) dst(%dma_wait3A_134 : memref<128x32xf32, #tpu.memory_space<vmem>>)
    %dma_wait3A_141 = arith.constant 0 : i32
    %dma_wait3A_142 = arith.constant 0 : i32
    %dma_wait3A_143 = arith.constant 0 : i32
    %dma_wait3A_144 = tpu.memref_slice %arg16[%dma_wait3A_142, %dma_wait3A_143] : memref<512x32xf32, #tpu.memory_space<vmem>> -> memref<128x32xf32, #tpu.memory_space<vmem>>
    %dma_wait3A_145 = arith.constant 0 : i32
    %dma_wait3A_146 = tpu.memref_slice %arg13[%dma_wait3A_141, %dma_wait3A_145] : memref<4x128xi32, #tpu.memory_space<vmem>> -> memref<1x128xi32, #tpu.memory_space<vmem>>
    %dma_wait3A_147 = tpu.memref_squeeze %dma_wait3A_146 : memref<1x128xi32, #tpu.memory_space<vmem>> -> memref<128xi32, #tpu.memory_space<vmem>>
    %dma_wait3A_148 = arith.constant 0 : i32
    %dma_wait3A_149 = arith.constant 0 : i32
    %dma_wait3A_150 = tpu.memref_slice %arg7[%dma_wait3A_148, %dma_wait3A_149] : memref<1000x32xf32, #tpu.memory_space<hbm>> -> memref<1000x32xf32, #tpu.memory_space<hbm>>
    tpu.wait_indirect_dma semaphore(%arg17 : memref<!tpu.dma_semaphore, #tpu.memory_space<semaphore_mem>>) src(%dma_wait3A_150 : memref<1000x32xf32, #tpu.memory_space<hbm>>) dst(%dma_wait3A_144 : memref<128x32xf32, #tpu.memory_space<vmem>>)
    %dma_wait3A_151 = arith.constant 1 : i32
    %dma_wait3A_152 = arith.constant 128 : i32
    %dma_wait3A_153 = arith.constant 0 : i32
    %dma_wait3A_154 = tpu.memref_slice %arg14[%dma_wait3A_152, %dma_wait3A_153] : memref<512x64xi32, #tpu.memory_space<vmem>> -> memref<128x64xi32, #tpu.memory_space<vmem>>
    %dma_wait3A_155 = arith.constant 0 : i32
    %dma_wait3A_156 = tpu.memref_slice %arg11[%dma_wait3A_151, %dma_wait3A_155] : memref<4x128xi32, #tpu.memory_space<vmem>> -> memref<1x128xi32, #tpu.memory_space<vmem>>
    %dma_wait3A_157 = tpu.memref_squeeze %dma_wait3A_156 : memref<1x128xi32, #tpu.memory_space<vmem>> -> memref<128xi32, #tpu.memory_space<vmem>>
    %dma_wait3A_158 = arith.constant 0 : i32
    %dma_wait3A_159 = arith.constant 0 : i32
    %dma_wait3A_160 = tpu.memref_slice %arg5[%dma_wait3A_158, %dma_wait3A_159] : memref<57344x64xi32, #tpu.memory_space<hbm>> -> memref<57344x64xi32, #tpu.memory_space<hbm>>
    tpu.wait_indirect_dma semaphore(%arg17 : memref<!tpu.dma_semaphore, #tpu.memory_space<semaphore_mem>>) src(%dma_wait3A_160 : memref<57344x64xi32, #tpu.memory_space<hbm>>) dst(%dma_wait3A_154 : memref<128x64xi32, #tpu.memory_space<vmem>>)
    %dma_wait3A_161 = arith.constant 1 : i32
    %dma_wait3A_162 = arith.constant 128 : i32
    %dma_wait3A_163 = arith.constant 0 : i32
    %dma_wait3A_164 = tpu.memref_slice %arg15[%dma_wait3A_162, %dma_wait3A_163] : memref<512x32xf32, #tpu.memory_space<vmem>> -> memref<128x32xf32, #tpu.memory_space<vmem>>
    %dma_wait3A_165 = arith.constant 0 : i32
    %dma_wait3A_166 = tpu.memref_slice %arg12[%dma_wait3A_161, %dma_wait3A_165] : memref<4x128xi32, #tpu.memory_space<vmem>> -> memref<1x128xi32, #tpu.memory_space<vmem>>
    %dma_wait3A_167 = tpu.memref_squeeze %dma_wait3A_166 : memref<1x128xi32, #tpu.memory_space<vmem>> -> memref<128xi32, #tpu.memory_space<vmem>>
    %dma_wait3A_168 = arith.constant 0 : i32
    %dma_wait3A_169 = arith.constant 0 : i32
    %dma_wait3A_170 = tpu.memref_slice %arg6[%dma_wait3A_168, %dma_wait3A_169] : memref<1000x32xf32, #tpu.memory_space<hbm>> -> memref<1000x32xf32, #tpu.memory_space<hbm>>
    tpu.wait_indirect_dma semaphore(%arg17 : memref<!tpu.dma_semaphore, #tpu.memory_space<semaphore_mem>>) src(%dma_wait3A_170 : memref<1000x32xf32, #tpu.memory_space<hbm>>) dst(%dma_wait3A_164 : memref<128x32xf32, #tpu.memory_space<vmem>>)
    %dma_wait3A_171 = arith.constant 1 : i32
    %dma_wait3A_172 = arith.constant 128 : i32
    %dma_wait3A_173 = arith.constant 0 : i32
    %dma_wait3A_174 = tpu.memref_slice %arg16[%dma_wait3A_172, %dma_wait3A_173] : memref<512x32xf32, #tpu.memory_space<vmem>> -> memref<128x32xf32, #tpu.memory_space<vmem>>
    %dma_wait3A_175 = arith.constant 0 : i32
    %dma_wait3A_176 = tpu.memref_slice %arg13[%dma_wait3A_171, %dma_wait3A_175] : memref<4x128xi32, #tpu.memory_space<vmem>> -> memref<1x128xi32, #tpu.memory_space<vmem>>
    %dma_wait3A_177 = tpu.memref_squeeze %dma_wait3A_176 : memref<1x128xi32, #tpu.memory_space<vmem>> -> memref<128xi32, #tpu.memory_space<vmem>>
    %dma_wait3A_178 = arith.constant 0 : i32
    %dma_wait3A_179 = arith.constant 0 : i32
    %dma_wait3A_180 = tpu.memref_slice %arg7[%dma_wait3A_178, %dma_wait3A_179] : memref<1000x32xf32, #tpu.memory_space<hbm>> -> memref<1000x32xf32, #tpu.memory_space<hbm>>
    tpu.wait_indirect_dma semaphore(%arg17 : memref<!tpu.dma_semaphore, #tpu.memory_space<semaphore_mem>>) src(%dma_wait3A_180 : memref<1000x32xf32, #tpu.memory_space<hbm>>) dst(%dma_wait3A_174 : memref<128x32xf32, #tpu.memory_space<vmem>>)
    %dma_wait3A_181 = arith.constant 2 : i32
    %dma_wait3A_182 = arith.constant 256 : i32
    %dma_wait3A_183 = arith.constant 0 : i32
    %dma_wait3A_184 = tpu.memref_slice %arg14[%dma_wait3A_182, %dma_wait3A_183] : memref<512x64xi32, #tpu.memory_space<vmem>> -> memref<128x64xi32, #tpu.memory_space<vmem>>
    %dma_wait3A_185 = arith.constant 0 : i32
    %dma_wait3A_186 = tpu.memref_slice %arg11[%dma_wait3A_181, %dma_wait3A_185] : memref<4x128xi32, #tpu.memory_space<vmem>> -> memref<1x128xi32, #tpu.memory_space<vmem>>
    %dma_wait3A_187 = tpu.memref_squeeze %dma_wait3A_186 : memref<1x128xi32, #tpu.memory_space<vmem>> -> memref<128xi32, #tpu.memory_space<vmem>>
    %dma_wait3A_188 = arith.constant 0 : i32
    %dma_wait3A_189 = arith.constant 0 : i32
    %dma_wait3A_190 = tpu.memref_slice %arg5[%dma_wait3A_188, %dma_wait3A_189] : memref<57344x64xi32, #tpu.memory_space<hbm>> -> memref<57344x64xi32, #tpu.memory_space<hbm>>
    tpu.wait_indirect_dma semaphore(%arg17 : memref<!tpu.dma_semaphore, #tpu.memory_space<semaphore_mem>>) src(%dma_wait3A_190 : memref<57344x64xi32, #tpu.memory_space<hbm>>) dst(%dma_wait3A_184 : memref<128x64xi32, #tpu.memory_space<vmem>>)
    %dma_wait3A_191 = arith.constant 2 : i32
    %dma_wait3A_192 = arith.constant 256 : i32
    %dma_wait3A_193 = arith.constant 0 : i32
    %dma_wait3A_194 = tpu.memref_slice %arg15[%dma_wait3A_192, %dma_wait3A_193] : memref<512x32xf32, #tpu.memory_space<vmem>> -> memref<128x32xf32, #tpu.memory_space<vmem>>
    %dma_wait3A_195 = arith.constant 0 : i32
    %dma_wait3A_196 = tpu.memref_slice %arg12[%dma_wait3A_191, %dma_wait3A_195] : memref<4x128xi32, #tpu.memory_space<vmem>> -> memref<1x128xi32, #tpu.memory_space<vmem>>
    %dma_wait3A_197 = tpu.memref_squeeze %dma_wait3A_196 : memref<1x128xi32, #tpu.memory_space<vmem>> -> memref<128xi32, #tpu.memory_space<vmem>>
    %dma_wait3A_198 = arith.constant 0 : i32
    %dma_wait3A_199 = arith.constant 0 : i32
    %dma_wait3A_200 = tpu.memref_slice %arg6[%dma_wait3A_198, %dma_wait3A_199] : memref<1000x32xf32, #tpu.memory_space<hbm>> -> memref<1000x32xf32, #tpu.memory_space<hbm>>
    tpu.wait_indirect_dma semaphore(%arg17 : memref<!tpu.dma_semaphore, #tpu.memory_space<semaphore_mem>>) src(%dma_wait3A_200 : memref<1000x32xf32, #tpu.memory_space<hbm>>) dst(%dma_wait3A_194 : memref<128x32xf32, #tpu.memory_space<vmem>>)
    %dma_wait3A_201 = arith.constant 2 : i32
    %dma_wait3A_202 = arith.constant 256 : i32
    %dma_wait3A_203 = arith.constant 0 : i32
    %dma_wait3A_204 = tpu.memref_slice %arg16[%dma_wait3A_202, %dma_wait3A_203] : memref<512x32xf32, #tpu.memory_space<vmem>> -> memref<128x32xf32, #tpu.memory_space<vmem>>
    %dma_wait3A_205 = arith.constant 0 : i32
    %dma_wait3A_206 = tpu.memref_slice %arg13[%dma_wait3A_201, %dma_wait3A_205] : memref<4x128xi32, #tpu.memory_space<vmem>> -> memref<1x128xi32, #tpu.memory_space<vmem>>
    %dma_wait3A_207 = tpu.memref_squeeze %dma_wait3A_206 : memref<1x128xi32, #tpu.memory_space<vmem>> -> memref<128xi32, #tpu.memory_space<vmem>>
    %dma_wait3A_208 = arith.constant 0 : i32
    %dma_wait3A_209 = arith.constant 0 : i32
    %dma_wait3A_210 = tpu.memref_slice %arg7[%dma_wait3A_208, %dma_wait3A_209] : memref<1000x32xf32, #tpu.memory_space<hbm>> -> memref<1000x32xf32, #tpu.memory_space<hbm>>
    tpu.wait_indirect_dma semaphore(%arg17 : memref<!tpu.dma_semaphore, #tpu.memory_space<semaphore_mem>>) src(%dma_wait3A_210 : memref<1000x32xf32, #tpu.memory_space<hbm>>) dst(%dma_wait3A_204 : memref<128x32xf32, #tpu.memory_space<vmem>>)
    %dma_wait3A_211 = arith.constant 3 : i32
    %dma_wait3A_212 = arith.constant 384 : i32
    %dma_wait3A_213 = arith.constant 0 : i32
    %dma_wait3A_214 = tpu.memref_slice %arg14[%dma_wait3A_212, %dma_wait3A_213] : memref<512x64xi32, #tpu.memory_space<vmem>> -> memref<128x64xi32, #tpu.memory_space<vmem>>
    %dma_wait3A_215 = arith.constant 0 : i32
    %dma_wait3A_216 = tpu.memref_slice %arg11[%dma_wait3A_211, %dma_wait3A_215] : memref<4x128xi32, #tpu.memory_space<vmem>> -> memref<1x128xi32, #tpu.memory_space<vmem>>
    %dma_wait3A_217 = tpu.memref_squeeze %dma_wait3A_216 : memref<1x128xi32, #tpu.memory_space<vmem>> -> memref<128xi32, #tpu.memory_space<vmem>>
    %dma_wait3A_218 = arith.constant 0 : i32
    %dma_wait3A_219 = arith.constant 0 : i32
    %dma_wait3A_220 = tpu.memref_slice %arg5[%dma_wait3A_218, %dma_wait3A_219] : memref<57344x64xi32, #tpu.memory_space<hbm>> -> memref<57344x64xi32, #tpu.memory_space<hbm>>
    tpu.wait_indirect_dma semaphore(%arg17 : memref<!tpu.dma_semaphore, #tpu.memory_space<semaphore_mem>>) src(%dma_wait3A_220 : memref<57344x64xi32, #tpu.memory_space<hbm>>) dst(%dma_wait3A_214 : memref<128x64xi32, #tpu.memory_space<vmem>>)
    %dma_wait3A_221 = arith.constant 3 : i32
    %dma_wait3A_222 = arith.constant 384 : i32
    %dma_wait3A_223 = arith.constant 0 : i32
    %dma_wait3A_224 = tpu.memref_slice %arg15[%dma_wait3A_222, %dma_wait3A_223] : memref<512x32xf32, #tpu.memory_space<vmem>> -> memref<128x32xf32, #tpu.memory_space<vmem>>
    %dma_wait3A_225 = arith.constant 0 : i32
    %dma_wait3A_226 = tpu.memref_slice %arg12[%dma_wait3A_221, %dma_wait3A_225] : memref<4x128xi32, #tpu.memory_space<vmem>> -> memref<1x128xi32, #tpu.memory_space<vmem>>
    %dma_wait3A_227 = tpu.memref_squeeze %dma_wait3A_226 : memref<1x128xi32, #tpu.memory_space<vmem>> -> memref<128xi32, #tpu.memory_space<vmem>>
    %dma_wait3A_228 = arith.constant 0 : i32
    %dma_wait3A_229 = arith.constant 0 : i32
    %dma_wait3A_230 = tpu.memref_slice %arg6[%dma_wait3A_228, %dma_wait3A_229] : memref<1000x32xf32, #tpu.memory_space<hbm>> -> memref<1000x32xf32, #tpu.memory_space<hbm>>
    tpu.wait_indirect_dma semaphore(%arg17 : memref<!tpu.dma_semaphore, #tpu.memory_space<semaphore_mem>>) src(%dma_wait3A_230 : memref<1000x32xf32, #tpu.memory_space<hbm>>) dst(%dma_wait3A_224 : memref<128x32xf32, #tpu.memory_space<vmem>>)
    %dma_wait3A_231 = arith.constant 3 : i32
    %dma_wait3A_232 = arith.constant 384 : i32
    %dma_wait3A_233 = arith.constant 0 : i32
    %dma_wait3A_234 = tpu.memref_slice %arg16[%dma_wait3A_232, %dma_wait3A_233] : memref<512x32xf32, #tpu.memory_space<vmem>> -> memref<128x32xf32, #tpu.memory_space<vmem>>
    %dma_wait3A_235 = arith.constant 0 : i32
    %dma_wait3A_236 = tpu.memref_slice %arg13[%dma_wait3A_231, %dma_wait3A_235] : memref<4x128xi32, #tpu.memory_space<vmem>> -> memref<1x128xi32, #tpu.memory_space<vmem>>
    %dma_wait3A_237 = tpu.memref_squeeze %dma_wait3A_236 : memref<1x128xi32, #tpu.memory_space<vmem>> -> memref<128xi32, #tpu.memory_space<vmem>>
    %dma_wait3A_238 = arith.constant 0 : i32
    %dma_wait3A_239 = arith.constant 0 : i32
    %dma_wait3A_240 = tpu.memref_slice %arg7[%dma_wait3A_238, %dma_wait3A_239] : memref<1000x32xf32, #tpu.memory_space<hbm>> -> memref<1000x32xf32, #tpu.memory_space<hbm>>
    tpu.wait_indirect_dma semaphore(%arg17 : memref<!tpu.dma_semaphore, #tpu.memory_space<semaphore_mem>>) src(%dma_wait3A_240 : memref<1000x32xf32, #tpu.memory_space<hbm>>) dst(%dma_wait3A_234 : memref<128x32xf32, #tpu.memory_space<vmem>>)
    "tpu.region"() ({
      %run_scoped3A = tpu.sem_alloc : memref<!tpu.dma_semaphore, #tpu.memory_space<semaphore_mem>>
      %dma_start3A_241 = arith.constant 0 : i32
      %dma_start3A_242 = tpu.memref_slice %arg8[%mul3A_2, %dma_start3A_241] : memref<16384x64xi32, #tpu.memory_space<hbm>> -> memref<512x64xi32, #tpu.memory_space<hbm>>
      %dma_start3A_243 = arith.constant 0 : i32
      %dma_start3A_244 = tpu.memref_slice %arg8[%mul3A_2, %dma_start3A_243] : memref<16384x64xi32, #tpu.memory_space<hbm>> -> memref<512x64xi32, #tpu.memory_space<hbm>>
      tpu.enqueue_dma source(%arg14 : memref<512x64xi32, #tpu.memory_space<vmem>>) target(%dma_start3A_244 : memref<512x64xi32, #tpu.memory_space<hbm>>) target_semaphore(%run_scoped3A : memref<!tpu.dma_semaphore, #tpu.memory_space<semaphore_mem>>)
      %dma_wait3A_245 = arith.constant 0 : i32
      %dma_wait3A_246 = tpu.memref_slice %arg8[%mul3A_2, %dma_wait3A_245] : memref<16384x64xi32, #tpu.memory_space<hbm>> -> memref<512x64xi32, #tpu.memory_space<hbm>>
      %dma_wait3A_247 = arith.constant 0 : i32
      %dma_wait3A_248 = tpu.memref_slice %arg8[%mul3A_2, %dma_wait3A_247] : memref<16384x64xi32, #tpu.memory_space<hbm>> -> memref<512x64xi32, #tpu.memory_space<hbm>>
      tpu.wait_dma2 semaphore(%run_scoped3A : memref<!tpu.dma_semaphore, #tpu.memory_space<semaphore_mem>>) src(%arg14 : memref<512x64xi32, #tpu.memory_space<vmem>>) dst(%dma_wait3A_248 : memref<512x64xi32, #tpu.memory_space<hbm>>)
      tpu.yield
    }) : () -> ()
    "tpu.region"() ({
      %run_scoped3A = tpu.sem_alloc : memref<!tpu.dma_semaphore, #tpu.memory_space<semaphore_mem>>
      %dma_start3A_241 = arith.constant 0 : i32
      %dma_start3A_242 = tpu.memref_slice %arg9[%mul3A_2, %dma_start3A_241] : memref<16384x32xf32, #tpu.memory_space<hbm>> -> memref<512x32xf32, #tpu.memory_space<hbm>>
      %dma_start3A_243 = arith.constant 0 : i32
      %dma_start3A_244 = tpu.memref_slice %arg9[%mul3A_2, %dma_start3A_243] : memref<16384x32xf32, #tpu.memory_space<hbm>> -> memref<512x32xf32, #tpu.memory_space<hbm>>
      tpu.enqueue_dma source(%arg15 : memref<512x32xf32, #tpu.memory_space<vmem>>) target(%dma_start3A_244 : memref<512x32xf32, #tpu.memory_space<hbm>>) target_semaphore(%run_scoped3A : memref<!tpu.dma_semaphore, #tpu.memory_space<semaphore_mem>>)
      %dma_wait3A_245 = arith.constant 0 : i32
      %dma_wait3A_246 = tpu.memref_slice %arg9[%mul3A_2, %dma_wait3A_245] : memref<16384x32xf32, #tpu.memory_space<hbm>> -> memref<512x32xf32, #tpu.memory_space<hbm>>
      %dma_wait3A_247 = arith.constant 0 : i32
      %dma_wait3A_248 = tpu.memref_slice %arg9[%mul3A_2, %dma_wait3A_247] : memref<16384x32xf32, #tpu.memory_space<hbm>> -> memref<512x32xf32, #tpu.memory_space<hbm>>
      tpu.wait_dma2 semaphore(%run_scoped3A : memref<!tpu.dma_semaphore, #tpu.memory_space<semaphore_mem>>) src(%arg15 : memref<512x32xf32, #tpu.memory_space<vmem>>) dst(%dma_wait3A_248 : memref<512x32xf32, #tpu.memory_space<hbm>>)
      tpu.yield
    }) : () -> ()
    "tpu.region"() ({
      %run_scoped3A = tpu.sem_alloc : memref<!tpu.dma_semaphore, #tpu.memory_space<semaphore_mem>>
      %dma_start3A_241 = arith.constant 0 : i32
      %dma_start3A_242 = tpu.memref_slice %arg10[%mul3A_2, %dma_start3A_241] : memref<16384x32xf32, #tpu.memory_space<hbm>> -> memref<512x32xf32, #tpu.memory_space<hbm>>
      %dma_start3A_243 = arith.constant 0 : i32
      %dma_start3A_244 = tpu.memref_slice %arg10[%mul3A_2, %dma_start3A_243] : memref<16384x32xf32, #tpu.memory_space<hbm>> -> memref<512x32xf32, #tpu.memory_space<hbm>>
      tpu.enqueue_dma source(%arg16 : memref<512x32xf32, #tpu.memory_space<vmem>>) target(%dma_start3A_244 : memref<512x32xf32, #tpu.memory_space<hbm>>) target_semaphore(%run_scoped3A : memref<!tpu.dma_semaphore, #tpu.memory_space<semaphore_mem>>)
      %dma_wait3A_245 = arith.constant 0 : i32
      %dma_wait3A_246 = tpu.memref_slice %arg10[%mul3A_2, %dma_wait3A_245] : memref<16384x32xf32, #tpu.memory_space<hbm>> -> memref<512x32xf32, #tpu.memory_space<hbm>>
      %dma_wait3A_247 = arith.constant 0 : i32
      %dma_wait3A_248 = tpu.memref_slice %arg10[%mul3A_2, %dma_wait3A_247] : memref<16384x32xf32, #tpu.memory_space<hbm>> -> memref<512x32xf32, #tpu.memory_space<hbm>>
      tpu.wait_dma2 semaphore(%run_scoped3A : memref<!tpu.dma_semaphore, #tpu.memory_space<semaphore_mem>>) src(%arg16 : memref<512x32xf32, #tpu.memory_space<vmem>>) dst(%dma_wait3A_248 : memref<512x32xf32, #tpu.memory_space<hbm>>)
      tpu.yield
    }) : () -> ()
    return
  }
}

#map = affine_map<(d0, d1) -> (0, 0, 0)>
#map1 = affine_map<(d0, d1) -> (0, 0)>
module attributes {stable_mosaic.version = 14 : i64} {
  func.func @_gather_u_body(%arg0: i32, %arg1: i32, %arg2: memref<32x4x128xi32, #tpu.memory_space<hbm>>, %arg3: memref<507904x64xi32, #tpu.memory_space<hbm>>, %arg4: memref<16384x64xi32, #tpu.memory_space<hbm>>, %arg5: memref<4x128xi32, #tpu.memory_space<vmem>>, %arg6: memref<512x64xi32, #tpu.memory_space<vmem>>, %arg7: memref<!tpu.dma_semaphore, #tpu.memory_space<semaphore_mem>>) attributes {dimension_semantics = [#tpu.dimension_semantics<core_parallel>, #tpu.dimension_semantics<subcore_parallel>], iteration_bounds = array<i64: 2, 16>, scalar_prefetch = 0 : i64, scratch_operands = 3 : i64, tpu.core_type = #tpu.core_type<sc_vector_subcore>, window_params = [{transform_indices = #map}, {transform_indices = #map1}, {transform_indices = #map1}]} {
    %mul3A = arith.constant 2 : i32
    %mul3A_0 = arith.muli %arg1, %mul3A : i32
    %add3A = arith.addi %mul3A_0, %arg0 : i32
    %mul3A_1 = arith.constant 512 : i32
    %mul3A_2 = arith.muli %add3A, %mul3A_1 : i32
    "tpu.region"() ({
      %run_scoped3A = tpu.sem_alloc : memref<!tpu.dma_semaphore, #tpu.memory_space<semaphore_mem>>
      %dma_start3A_81 = arith.constant 0 : i32
      %dma_start3A_82 = arith.constant 0 : i32
      %dma_start3A_83 = tpu.memref_slice %arg2[%add3A, %dma_start3A_81, %dma_start3A_82] : memref<32x4x128xi32, #tpu.memory_space<hbm>> -> memref<1x4x128xi32, #tpu.memory_space<hbm>>
      %dma_start3A_84 = tpu.memref_squeeze %dma_start3A_83 : memref<1x4x128xi32, #tpu.memory_space<hbm>> -> memref<4x128xi32, #tpu.memory_space<hbm>>
      %dma_start3A_85 = arith.constant 0 : i32
      %dma_start3A_86 = arith.constant 0 : i32
      %dma_start3A_87 = tpu.memref_slice %arg2[%add3A, %dma_start3A_85, %dma_start3A_86] : memref<32x4x128xi32, #tpu.memory_space<hbm>> -> memref<1x4x128xi32, #tpu.memory_space<hbm>>
      %dma_start3A_88 = tpu.memref_squeeze %dma_start3A_87 : memref<1x4x128xi32, #tpu.memory_space<hbm>> -> memref<4x128xi32, #tpu.memory_space<hbm>>
      tpu.enqueue_dma source(%dma_start3A_88 : memref<4x128xi32, #tpu.memory_space<hbm>>) target(%arg5 : memref<4x128xi32, #tpu.memory_space<vmem>>) target_semaphore(%run_scoped3A : memref<!tpu.dma_semaphore, #tpu.memory_space<semaphore_mem>>)
      %dma_wait3A_89 = arith.constant 0 : i32
      %dma_wait3A_90 = arith.constant 0 : i32
      %dma_wait3A_91 = tpu.memref_slice %arg2[%add3A, %dma_wait3A_89, %dma_wait3A_90] : memref<32x4x128xi32, #tpu.memory_space<hbm>> -> memref<1x4x128xi32, #tpu.memory_space<hbm>>
      %dma_wait3A_92 = tpu.memref_squeeze %dma_wait3A_91 : memref<1x4x128xi32, #tpu.memory_space<hbm>> -> memref<4x128xi32, #tpu.memory_space<hbm>>
      %dma_wait3A_93 = arith.constant 0 : i32
      %dma_wait3A_94 = arith.constant 0 : i32
      %dma_wait3A_95 = tpu.memref_slice %arg2[%add3A, %dma_wait3A_93, %dma_wait3A_94] : memref<32x4x128xi32, #tpu.memory_space<hbm>> -> memref<1x4x128xi32, #tpu.memory_space<hbm>>
      %dma_wait3A_96 = tpu.memref_squeeze %dma_wait3A_95 : memref<1x4x128xi32, #tpu.memory_space<hbm>> -> memref<4x128xi32, #tpu.memory_space<hbm>>
      tpu.wait_dma2 semaphore(%run_scoped3A : memref<!tpu.dma_semaphore, #tpu.memory_space<semaphore_mem>>) src(%dma_wait3A_96 : memref<4x128xi32, #tpu.memory_space<hbm>>) dst(%arg5 : memref<4x128xi32, #tpu.memory_space<vmem>>)
      tpu.yield
    }) : () -> ()
    %dma_start3A = arith.constant 0 : i32
    %dma_start3A_3 = arith.constant 0 : i32
    %dma_start3A_4 = arith.constant 0 : i32
    %dma_start3A_5 = tpu.memref_slice %arg6[%dma_start3A_3, %dma_start3A_4] : memref<512x64xi32, #tpu.memory_space<vmem>> -> memref<128x64xi32, #tpu.memory_space<vmem>>
    %dma_start3A_6 = arith.constant 0 : i32
    %dma_start3A_7 = tpu.memref_slice %arg5[%dma_start3A, %dma_start3A_6] : memref<4x128xi32, #tpu.memory_space<vmem>> -> memref<1x128xi32, #tpu.memory_space<vmem>>
    %dma_start3A_8 = tpu.memref_squeeze %dma_start3A_7 : memref<1x128xi32, #tpu.memory_space<vmem>> -> memref<128xi32, #tpu.memory_space<vmem>>
    %dma_start3A_9 = arith.constant 0 : i32
    %dma_start3A_10 = arith.constant 0 : i32
    %dma_start3A_11 = tpu.memref_slice %arg3[%dma_start3A_9, %dma_start3A_10] : memref<507904x64xi32, #tpu.memory_space<hbm>> -> memref<507904x64xi32, #tpu.memory_space<hbm>>
    tpu.enqueue_indirect_dma source(%dma_start3A_11 : memref<507904x64xi32, #tpu.memory_space<hbm>>) target(%dma_start3A_5 : memref<128x64xi32, #tpu.memory_space<vmem>>) offsets(%dma_start3A_8 : memref<128xi32, #tpu.memory_space<vmem>>) semaphore(%arg7 : memref<!tpu.dma_semaphore, #tpu.memory_space<semaphore_mem>>)
    %dma_start3A_12 = arith.constant 1 : i32
    %dma_start3A_13 = arith.constant 128 : i32
    %dma_start3A_14 = arith.constant 0 : i32
    %dma_start3A_15 = tpu.memref_slice %arg6[%dma_start3A_13, %dma_start3A_14] : memref<512x64xi32, #tpu.memory_space<vmem>> -> memref<128x64xi32, #tpu.memory_space<vmem>>
    %dma_start3A_16 = arith.constant 0 : i32
    %dma_start3A_17 = tpu.memref_slice %arg5[%dma_start3A_12, %dma_start3A_16] : memref<4x128xi32, #tpu.memory_space<vmem>> -> memref<1x128xi32, #tpu.memory_space<vmem>>
    %dma_start3A_18 = tpu.memref_squeeze %dma_start3A_17 : memref<1x128xi32, #tpu.memory_space<vmem>> -> memref<128xi32, #tpu.memory_space<vmem>>
    %dma_start3A_19 = arith.constant 0 : i32
    %dma_start3A_20 = arith.constant 0 : i32
    %dma_start3A_21 = tpu.memref_slice %arg3[%dma_start3A_19, %dma_start3A_20] : memref<507904x64xi32, #tpu.memory_space<hbm>> -> memref<507904x64xi32, #tpu.memory_space<hbm>>
    tpu.enqueue_indirect_dma source(%dma_start3A_21 : memref<507904x64xi32, #tpu.memory_space<hbm>>) target(%dma_start3A_15 : memref<128x64xi32, #tpu.memory_space<vmem>>) offsets(%dma_start3A_18 : memref<128xi32, #tpu.memory_space<vmem>>) semaphore(%arg7 : memref<!tpu.dma_semaphore, #tpu.memory_space<semaphore_mem>>)
    %dma_start3A_22 = arith.constant 2 : i32
    %dma_start3A_23 = arith.constant 256 : i32
    %dma_start3A_24 = arith.constant 0 : i32
    %dma_start3A_25 = tpu.memref_slice %arg6[%dma_start3A_23, %dma_start3A_24] : memref<512x64xi32, #tpu.memory_space<vmem>> -> memref<128x64xi32, #tpu.memory_space<vmem>>
    %dma_start3A_26 = arith.constant 0 : i32
    %dma_start3A_27 = tpu.memref_slice %arg5[%dma_start3A_22, %dma_start3A_26] : memref<4x128xi32, #tpu.memory_space<vmem>> -> memref<1x128xi32, #tpu.memory_space<vmem>>
    %dma_start3A_28 = tpu.memref_squeeze %dma_start3A_27 : memref<1x128xi32, #tpu.memory_space<vmem>> -> memref<128xi32, #tpu.memory_space<vmem>>
    %dma_start3A_29 = arith.constant 0 : i32
    %dma_start3A_30 = arith.constant 0 : i32
    %dma_start3A_31 = tpu.memref_slice %arg3[%dma_start3A_29, %dma_start3A_30] : memref<507904x64xi32, #tpu.memory_space<hbm>> -> memref<507904x64xi32, #tpu.memory_space<hbm>>
    tpu.enqueue_indirect_dma source(%dma_start3A_31 : memref<507904x64xi32, #tpu.memory_space<hbm>>) target(%dma_start3A_25 : memref<128x64xi32, #tpu.memory_space<vmem>>) offsets(%dma_start3A_28 : memref<128xi32, #tpu.memory_space<vmem>>) semaphore(%arg7 : memref<!tpu.dma_semaphore, #tpu.memory_space<semaphore_mem>>)
    %dma_start3A_32 = arith.constant 3 : i32
    %dma_start3A_33 = arith.constant 384 : i32
    %dma_start3A_34 = arith.constant 0 : i32
    %dma_start3A_35 = tpu.memref_slice %arg6[%dma_start3A_33, %dma_start3A_34] : memref<512x64xi32, #tpu.memory_space<vmem>> -> memref<128x64xi32, #tpu.memory_space<vmem>>
    %dma_start3A_36 = arith.constant 0 : i32
    %dma_start3A_37 = tpu.memref_slice %arg5[%dma_start3A_32, %dma_start3A_36] : memref<4x128xi32, #tpu.memory_space<vmem>> -> memref<1x128xi32, #tpu.memory_space<vmem>>
    %dma_start3A_38 = tpu.memref_squeeze %dma_start3A_37 : memref<1x128xi32, #tpu.memory_space<vmem>> -> memref<128xi32, #tpu.memory_space<vmem>>
    %dma_start3A_39 = arith.constant 0 : i32
    %dma_start3A_40 = arith.constant 0 : i32
    %dma_start3A_41 = tpu.memref_slice %arg3[%dma_start3A_39, %dma_start3A_40] : memref<507904x64xi32, #tpu.memory_space<hbm>> -> memref<507904x64xi32, #tpu.memory_space<hbm>>
    tpu.enqueue_indirect_dma source(%dma_start3A_41 : memref<507904x64xi32, #tpu.memory_space<hbm>>) target(%dma_start3A_35 : memref<128x64xi32, #tpu.memory_space<vmem>>) offsets(%dma_start3A_38 : memref<128xi32, #tpu.memory_space<vmem>>) semaphore(%arg7 : memref<!tpu.dma_semaphore, #tpu.memory_space<semaphore_mem>>)
    %dma_wait3A = arith.constant 0 : i32
    %dma_wait3A_42 = arith.constant 0 : i32
    %dma_wait3A_43 = arith.constant 0 : i32
    %dma_wait3A_44 = tpu.memref_slice %arg6[%dma_wait3A_42, %dma_wait3A_43] : memref<512x64xi32, #tpu.memory_space<vmem>> -> memref<128x64xi32, #tpu.memory_space<vmem>>
    %dma_wait3A_45 = arith.constant 0 : i32
    %dma_wait3A_46 = tpu.memref_slice %arg5[%dma_wait3A, %dma_wait3A_45] : memref<4x128xi32, #tpu.memory_space<vmem>> -> memref<1x128xi32, #tpu.memory_space<vmem>>
    %dma_wait3A_47 = tpu.memref_squeeze %dma_wait3A_46 : memref<1x128xi32, #tpu.memory_space<vmem>> -> memref<128xi32, #tpu.memory_space<vmem>>
    %dma_wait3A_48 = arith.constant 0 : i32
    %dma_wait3A_49 = arith.constant 0 : i32
    %dma_wait3A_50 = tpu.memref_slice %arg3[%dma_wait3A_48, %dma_wait3A_49] : memref<507904x64xi32, #tpu.memory_space<hbm>> -> memref<507904x64xi32, #tpu.memory_space<hbm>>
    tpu.wait_indirect_dma semaphore(%arg7 : memref<!tpu.dma_semaphore, #tpu.memory_space<semaphore_mem>>) src(%dma_wait3A_50 : memref<507904x64xi32, #tpu.memory_space<hbm>>) dst(%dma_wait3A_44 : memref<128x64xi32, #tpu.memory_space<vmem>>)
    %dma_wait3A_51 = arith.constant 1 : i32
    %dma_wait3A_52 = arith.constant 128 : i32
    %dma_wait3A_53 = arith.constant 0 : i32
    %dma_wait3A_54 = tpu.memref_slice %arg6[%dma_wait3A_52, %dma_wait3A_53] : memref<512x64xi32, #tpu.memory_space<vmem>> -> memref<128x64xi32, #tpu.memory_space<vmem>>
    %dma_wait3A_55 = arith.constant 0 : i32
    %dma_wait3A_56 = tpu.memref_slice %arg5[%dma_wait3A_51, %dma_wait3A_55] : memref<4x128xi32, #tpu.memory_space<vmem>> -> memref<1x128xi32, #tpu.memory_space<vmem>>
    %dma_wait3A_57 = tpu.memref_squeeze %dma_wait3A_56 : memref<1x128xi32, #tpu.memory_space<vmem>> -> memref<128xi32, #tpu.memory_space<vmem>>
    %dma_wait3A_58 = arith.constant 0 : i32
    %dma_wait3A_59 = arith.constant 0 : i32
    %dma_wait3A_60 = tpu.memref_slice %arg3[%dma_wait3A_58, %dma_wait3A_59] : memref<507904x64xi32, #tpu.memory_space<hbm>> -> memref<507904x64xi32, #tpu.memory_space<hbm>>
    tpu.wait_indirect_dma semaphore(%arg7 : memref<!tpu.dma_semaphore, #tpu.memory_space<semaphore_mem>>) src(%dma_wait3A_60 : memref<507904x64xi32, #tpu.memory_space<hbm>>) dst(%dma_wait3A_54 : memref<128x64xi32, #tpu.memory_space<vmem>>)
    %dma_wait3A_61 = arith.constant 2 : i32
    %dma_wait3A_62 = arith.constant 256 : i32
    %dma_wait3A_63 = arith.constant 0 : i32
    %dma_wait3A_64 = tpu.memref_slice %arg6[%dma_wait3A_62, %dma_wait3A_63] : memref<512x64xi32, #tpu.memory_space<vmem>> -> memref<128x64xi32, #tpu.memory_space<vmem>>
    %dma_wait3A_65 = arith.constant 0 : i32
    %dma_wait3A_66 = tpu.memref_slice %arg5[%dma_wait3A_61, %dma_wait3A_65] : memref<4x128xi32, #tpu.memory_space<vmem>> -> memref<1x128xi32, #tpu.memory_space<vmem>>
    %dma_wait3A_67 = tpu.memref_squeeze %dma_wait3A_66 : memref<1x128xi32, #tpu.memory_space<vmem>> -> memref<128xi32, #tpu.memory_space<vmem>>
    %dma_wait3A_68 = arith.constant 0 : i32
    %dma_wait3A_69 = arith.constant 0 : i32
    %dma_wait3A_70 = tpu.memref_slice %arg3[%dma_wait3A_68, %dma_wait3A_69] : memref<507904x64xi32, #tpu.memory_space<hbm>> -> memref<507904x64xi32, #tpu.memory_space<hbm>>
    tpu.wait_indirect_dma semaphore(%arg7 : memref<!tpu.dma_semaphore, #tpu.memory_space<semaphore_mem>>) src(%dma_wait3A_70 : memref<507904x64xi32, #tpu.memory_space<hbm>>) dst(%dma_wait3A_64 : memref<128x64xi32, #tpu.memory_space<vmem>>)
    %dma_wait3A_71 = arith.constant 3 : i32
    %dma_wait3A_72 = arith.constant 384 : i32
    %dma_wait3A_73 = arith.constant 0 : i32
    %dma_wait3A_74 = tpu.memref_slice %arg6[%dma_wait3A_72, %dma_wait3A_73] : memref<512x64xi32, #tpu.memory_space<vmem>> -> memref<128x64xi32, #tpu.memory_space<vmem>>
    %dma_wait3A_75 = arith.constant 0 : i32
    %dma_wait3A_76 = tpu.memref_slice %arg5[%dma_wait3A_71, %dma_wait3A_75] : memref<4x128xi32, #tpu.memory_space<vmem>> -> memref<1x128xi32, #tpu.memory_space<vmem>>
    %dma_wait3A_77 = tpu.memref_squeeze %dma_wait3A_76 : memref<1x128xi32, #tpu.memory_space<vmem>> -> memref<128xi32, #tpu.memory_space<vmem>>
    %dma_wait3A_78 = arith.constant 0 : i32
    %dma_wait3A_79 = arith.constant 0 : i32
    %dma_wait3A_80 = tpu.memref_slice %arg3[%dma_wait3A_78, %dma_wait3A_79] : memref<507904x64xi32, #tpu.memory_space<hbm>> -> memref<507904x64xi32, #tpu.memory_space<hbm>>
    tpu.wait_indirect_dma semaphore(%arg7 : memref<!tpu.dma_semaphore, #tpu.memory_space<semaphore_mem>>) src(%dma_wait3A_80 : memref<507904x64xi32, #tpu.memory_space<hbm>>) dst(%dma_wait3A_74 : memref<128x64xi32, #tpu.memory_space<vmem>>)
    "tpu.region"() ({
      %run_scoped3A = tpu.sem_alloc : memref<!tpu.dma_semaphore, #tpu.memory_space<semaphore_mem>>
      %dma_start3A_81 = arith.constant 0 : i32
      %dma_start3A_82 = tpu.memref_slice %arg4[%mul3A_2, %dma_start3A_81] : memref<16384x64xi32, #tpu.memory_space<hbm>> -> memref<512x64xi32, #tpu.memory_space<hbm>>
      %dma_start3A_83 = arith.constant 0 : i32
      %dma_start3A_84 = tpu.memref_slice %arg4[%mul3A_2, %dma_start3A_83] : memref<16384x64xi32, #tpu.memory_space<hbm>> -> memref<512x64xi32, #tpu.memory_space<hbm>>
      tpu.enqueue_dma source(%arg6 : memref<512x64xi32, #tpu.memory_space<vmem>>) target(%dma_start3A_84 : memref<512x64xi32, #tpu.memory_space<hbm>>) target_semaphore(%run_scoped3A : memref<!tpu.dma_semaphore, #tpu.memory_space<semaphore_mem>>)
      %dma_wait3A_85 = arith.constant 0 : i32
      %dma_wait3A_86 = tpu.memref_slice %arg4[%mul3A_2, %dma_wait3A_85] : memref<16384x64xi32, #tpu.memory_space<hbm>> -> memref<512x64xi32, #tpu.memory_space<hbm>>
      %dma_wait3A_87 = arith.constant 0 : i32
      %dma_wait3A_88 = tpu.memref_slice %arg4[%mul3A_2, %dma_wait3A_87] : memref<16384x64xi32, #tpu.memory_space<hbm>> -> memref<512x64xi32, #tpu.memory_space<hbm>>
      tpu.wait_dma2 semaphore(%run_scoped3A : memref<!tpu.dma_semaphore, #tpu.memory_space<semaphore_mem>>) src(%arg6 : memref<512x64xi32, #tpu.memory_space<vmem>>) dst(%dma_wait3A_88 : memref<512x64xi32, #tpu.memory_space<hbm>>)
      tpu.yield
    }) : () -> ()
    return
  }
}

module attributes {stable_mosaic.version = 14 : i64} {
  func.func @_flatten_body(%arg0: i32, %arg1: memref<64x16384xf32, #tpu.memory_space<vmem>>, %arg2: memref<64x64xbf16, #tpu.memory_space<vmem>>, %arg3: memref<4096x128xi32, #tpu.memory_space<vmem>>) attributes {dimension_semantics = [#tpu.dimension_semantics<arbitrary>], iteration_bounds = array<i64: 7>, scalar_prefetch = 0 : i64, scratch_operands = 0 : i64, tpu.core_type = #tpu.core_type<tc>, window_params = [{transform_indices = @transform_0, window_bounds = array<i64: 64, 16384>}, {pipeline_mode = #tpu.pipeline_mode<synchronous>, transform_indices = @transform_1, window_bounds = array<i64: 64, 64>}, {transform_indices = @transform_2, window_bounds = array<i64: 4096, 128>}]} {
    %get3A = arith.constant 0 : index
    %get3A_0 = arith.constant 0 : index
    %get3A_1 = vector.load %arg1[%get3A, %get3A_0] : memref<64x16384xf32, #tpu.memory_space<vmem>>, vector<64x16384xf32>
    %convert_element_type3A = arith.truncf %get3A_1 : vector<64x16384xf32> to vector<64x16384xbf16>
    %get3A_2 = arith.constant 0 : index
    %get3A_3 = arith.constant 0 : index
    %get3A_4 = vector.load %arg2[%get3A_2, %get3A_3] : memref<64x64xbf16, #tpu.memory_space<vmem>>, vector<64x64xbf16>
    %dot_general3A = arith.constant dense<0.000000e+00> : vector<16384x64xf32>
    %dot_general3A_5 = tpu.matmul %convert_element_type3A, %get3A_4, %dot_general3A {dimension_numbers = #tpu.dot_dimension_numbers<[0], [0], [1], [1], [0, 1, 1, 1], [], []>, transpose_lhs_hint = false} : vector<64x16384xbf16>, vector<64x64xbf16>, vector<16384x64xf32> -> vector<16384x64xf32>
    %convert_element_type3A_6 = arith.truncf %dot_general3A_5 : vector<16384x64xf32> to vector<16384x64xbf16>
    %bitcast3A = tpu.bitcast %convert_element_type3A_6 : vector<16384x64xbf16> -> vector<8192x64xi32>
    %slice3A = vector.extract_strided_slice %bitcast3A {offsets = [0, 0], sizes = [4096, 64], strides = [1, 1]} : vector<8192x64xi32> to vector<4096x64xi32>
    %swap3A = arith.constant 0 : index
    %swap3A_7 = arith.constant 0 : index
    %swap3A_8 = vector.load %arg3[%swap3A, %swap3A_7] : memref<4096x128xi32, #tpu.memory_space<vmem>>, vector<4096x64xi32>
    tpu.vector_store %arg3[%swap3A, %swap3A_7], %slice3A {strides = array<i32>} : memref<4096x128xi32, #tpu.memory_space<vmem>>, vector<4096x64xi32>,
    %slice3A_9 = vector.extract_strided_slice %bitcast3A {offsets = [4096, 0], sizes = [4096, 64], strides = [1, 1]} : vector<8192x64xi32> to vector<4096x64xi32>
    %swap3A_10 = arith.constant 0 : index
    %swap3A_11 = arith.constant 64 : index
    %swap3A_12 = vector.load %arg3[%swap3A_10, %swap3A_11] : memref<4096x128xi32, #tpu.memory_space<vmem>>, vector<4096x64xi32>
    tpu.vector_store %arg3[%swap3A_10, %swap3A_11], %slice3A_9 {strides = array<i32>} : memref<4096x128xi32, #tpu.memory_space<vmem>>, vector<4096x64xi32>,
    return
  }
  func.func @transform_0(%arg0: i32) -> (i32, i32) {
    %c0_i32 = arith.constant 0 : i32
    %c0_i32_0 = arith.constant 0 : i32
    return %c0_i32, %arg0 : i32, i32
  }
  func.func @transform_1(%arg0: i32) -> (i32, i32) {
    %c0_i32 = arith.constant 0 : i32
    %c0_i32_0 = arith.constant 0 : i32
    %c0_i32_1 = arith.constant 0 : i32
    return %c0_i32, %c0_i32_0 : i32, i32
  }
  func.func @transform_2(%arg0: i32) -> (i32, i32) {
    %c0_i32 = arith.constant 0 : i32
    %c0_i32_0 = arith.constant 0 : i32
    return %arg0, %c0_i32 : i32, i32
  }
}

module attributes {stable_mosaic.version = 14 : i64} {
  func.func @_flatten_body(%arg0: i32, %arg1: memref<64x16384xf32, #tpu.memory_space<vmem>>, %arg2: memref<64x64xbf16, #tpu.memory_space<vmem>>, %arg3: memref<4096x128xi32, #tpu.memory_space<vmem>>) attributes {dimension_semantics = [#tpu.dimension_semantics<arbitrary>], iteration_bounds = array<i64: 62>, scalar_prefetch = 0 : i64, scratch_operands = 0 : i64, tpu.core_type = #tpu.core_type<tc>, window_params = [{transform_indices = @transform_0, window_bounds = array<i64: 64, 16384>}, {pipeline_mode = #tpu.pipeline_mode<synchronous>, transform_indices = @transform_1, window_bounds = array<i64: 64, 64>}, {transform_indices = @transform_2, window_bounds = array<i64: 4096, 128>}]} {
    %get3A = arith.constant 0 : index
    %get3A_0 = arith.constant 0 : index
    %get3A_1 = vector.load %arg1[%get3A, %get3A_0] : memref<64x16384xf32, #tpu.memory_space<vmem>>, vector<64x16384xf32>
    %convert_element_type3A = arith.truncf %get3A_1 : vector<64x16384xf32> to vector<64x16384xbf16>
    %get3A_2 = arith.constant 0 : index
    %get3A_3 = arith.constant 0 : index
    %get3A_4 = vector.load %arg2[%get3A_2, %get3A_3] : memref<64x64xbf16, #tpu.memory_space<vmem>>, vector<64x64xbf16>
    %dot_general3A = arith.constant dense<0.000000e+00> : vector<16384x64xf32>
    %dot_general3A_5 = tpu.matmul %convert_element_type3A, %get3A_4, %dot_general3A {dimension_numbers = #tpu.dot_dimension_numbers<[0], [0], [1], [1], [0, 1, 1, 1], [], []>, transpose_lhs_hint = false} : vector<64x16384xbf16>, vector<64x64xbf16>, vector<16384x64xf32> -> vector<16384x64xf32>
    %convert_element_type3A_6 = arith.truncf %dot_general3A_5 : vector<16384x64xf32> to vector<16384x64xbf16>
    %bitcast3A = tpu.bitcast %convert_element_type3A_6 : vector<16384x64xbf16> -> vector<8192x64xi32>
    %slice3A = vector.extract_strided_slice %bitcast3A {offsets = [0, 0], sizes = [4096, 64], strides = [1, 1]} : vector<8192x64xi32> to vector<4096x64xi32>
    %swap3A = arith.constant 0 : index
    %swap3A_7 = arith.constant 0 : index
    %swap3A_8 = vector.load %arg3[%swap3A, %swap3A_7] : memref<4096x128xi32, #tpu.memory_space<vmem>>, vector<4096x64xi32>
    tpu.vector_store %arg3[%swap3A, %swap3A_7], %slice3A {strides = array<i32>} : memref<4096x128xi32, #tpu.memory_space<vmem>>, vector<4096x64xi32>,
    %slice3A_9 = vector.extract_strided_slice %bitcast3A {offsets = [4096, 0], sizes = [4096, 64], strides = [1, 1]} : vector<8192x64xi32> to vector<4096x64xi32>
    %swap3A_10 = arith.constant 0 : index
    %swap3A_11 = arith.constant 64 : index
    %swap3A_12 = vector.load %arg3[%swap3A_10, %swap3A_11] : memref<4096x128xi32, #tpu.memory_space<vmem>>, vector<4096x64xi32>
    tpu.vector_store %arg3[%swap3A_10, %swap3A_11], %slice3A_9 {strides = array<i32>} : memref<4096x128xi32, #tpu.memory_space<vmem>>, vector<4096x64xi32>,
    return
  }
  func.func @transform_0(%arg0: i32) -> (i32, i32) {
    %c0_i32 = arith.constant 0 : i32
    %c0_i32_0 = arith.constant 0 : i32
    return %c0_i32, %arg0 : i32, i32
  }
  func.func @transform_1(%arg0: i32) -> (i32, i32) {
    %c0_i32 = arith.constant 0 : i32
    %c0_i32_0 = arith.constant 0 : i32
    %c0_i32_1 = arith.constant 0 : i32
    return %c0_i32, %c0_i32_0 : i32, i32
  }
  func.func @transform_2(%arg0: i32) -> (i32, i32) {
    %c0_i32 = arith.constant 0 : i32
    %c0_i32_0 = arith.constant 0 : i32
    return %arg0, %c0_i32 : i32, i32
  }
}

module attributes {stable_mosaic.version = 14 : i64} {
  func.func @_mlp_body(%arg0: i32, %arg1: memref<2048x64xi32, #tpu.memory_space<vmem>>, %arg2: memref<2048x64xi32, #tpu.memory_space<vmem>>, %arg3: memref<2048x32xf32, #tpu.memory_space<vmem>>, %arg4: memref<2048x32xf32, #tpu.memory_space<vmem>>, %arg5: memref<2048x1xf32, #tpu.memory_space<vmem>>, %arg6: memref<2048x1xi32, #tpu.memory_space<vmem>>, %arg7: memref<2048x1xi32, #tpu.memory_space<vmem>>, %arg8: memref<64x128xbf16, #tpu.memory_space<vmem>>, %arg9: memref<64x128xbf16, #tpu.memory_space<vmem>>, %arg10: memref<32x128xbf16, #tpu.memory_space<vmem>>, %arg11: memref<32x128xbf16, #tpu.memory_space<vmem>>, %arg12: memref<1x128xf32, #tpu.memory_space<vmem>>, %arg13: memref<1x128xf32, #tpu.memory_space<vmem>>, %arg14: memref<128x1xf32, #tpu.memory_space<vmem>>, %arg15: memref<1x1xf32, #tpu.memory_space<vmem>>, %arg16: memref<2048x1xf32, #tpu.memory_space<vmem>>) attributes {dimension_semantics = [#tpu.dimension_semantics<arbitrary>], iteration_bounds = array<i64: 8>, scalar_prefetch = 0 : i64, scratch_operands = 0 : i64, tpu.core_type = #tpu.core_type<tc>, window_params = [{transform_indices = @transform_0, window_bounds = array<i64: 2048, 64>}, {transform_indices = @transform_1, window_bounds = array<i64: 2048, 64>}, {transform_indices = @transform_2, window_bounds = array<i64: 2048, 32>}, {transform_indices = @transform_3, window_bounds = array<i64: 2048, 32>}, {transform_indices = @transform_4, window_bounds = array<i64: 2048, 1>}, {transform_indices = @transform_5, window_bounds = array<i64: 2048, 1>}, {transform_indices = @transform_6, window_bounds = array<i64: 2048, 1>}, {pipeline_mode = #tpu.pipeline_mode<synchronous>, transform_indices = @transform_7, window_bounds = array<i64: 64, 128>}, {pipeline_mode = #tpu.pipeline_mode<synchronous>, transform_indices = @transform_8, window_bounds = array<i64: 64, 128>}, {pipeline_mode = #tpu.pipeline_mode<synchronous>, transform_indices = @transform_9, window_bounds = array<i64: 32, 128>}, {pipeline_mode = #tpu.pipeline_mode<synchronous>, transform_indices = @transform_10, window_bounds = array<i64: 32, 128>}, {pipeline_mode = #tpu.pipeline_mode<synchronous>, transform_indices = @transform_11, window_bounds = array<i64: 1, 128>}, {pipeline_mode = #tpu.pipeline_mode<synchronous>, transform_indices = @transform_12, window_bounds = array<i64: 1, 128>}, {pipeline_mode = #tpu.pipeline_mode<synchronous>, transform_indices = @transform_13, window_bounds = array<i64: 128, 1>}, {pipeline_mode = #tpu.pipeline_mode<synchronous>, transform_indices = @transform_14, window_bounds = array<i64: 1, 1>}, {transform_indices = @transform_15, window_bounds = array<i64: 2048, 1>}]} {
    %get3A = arith.constant 0 : index
    %get3A_0 = arith.constant 0 : index
    %get3A_1 = vector.load %arg1[%get3A, %get3A_0] : memref<2048x64xi32, #tpu.memory_space<vmem>>, vector<2048x64xi32>
    %bitcast_convert_type3A = tpu.bitcast %get3A_1 : vector<2048x64xi32> -> vector<2048x64xi32>
    %and3A = arith.constant 65535 : i32
    %and3A_2 = vector.broadcast %and3A : i32 to vector<2048x64xi32>
    %and3A_3 = arith.andi %bitcast_convert_type3A, %and3A_2 : vector<2048x64xi32>
    %convert_element_type3A = arith.trunci %and3A_3 : vector<2048x64xi32> to vector<2048x64xi16>
    %bitcast_convert_type3A_4 = tpu.bitcast %convert_element_type3A : vector<2048x64xi16> -> vector<2048x64xbf16>
    %shift_right_logical3A = arith.constant 16 : i32
    %shift_right_logical3A_5 = vector.broadcast %shift_right_logical3A : i32 to vector<2048x64xi32>
    %shift_right_logical3A_6 = arith.shrui %bitcast_convert_type3A, %shift_right_logical3A_5 : vector<2048x64xi32>
    %convert_element_type3A_7 = arith.trunci %shift_right_logical3A_6 : vector<2048x64xi32> to vector<2048x64xi16>
    %bitcast_convert_type3A_8 = tpu.bitcast %convert_element_type3A_7 : vector<2048x64xi16> -> vector<2048x64xbf16>
    %get3A_9 = arith.constant 0 : index
    %get3A_10 = arith.constant 0 : index
    %get3A_11 = vector.load %arg2[%get3A_9, %get3A_10] : memref<2048x64xi32, #tpu.memory_space<vmem>>, vector<2048x64xi32>
    %bitcast_convert_type3A_12 = tpu.bitcast %get3A_11 : vector<2048x64xi32> -> vector<2048x64xi32>
    %and3A_13 = arith.constant 65535 : i32
    %and3A_14 = vector.broadcast %and3A_13 : i32 to vector<2048x64xi32>
    %and3A_15 = arith.andi %bitcast_convert_type3A_12, %and3A_14 : vector<2048x64xi32>
    %convert_element_type3A_16 = arith.trunci %and3A_15 : vector<2048x64xi32> to vector<2048x64xi16>
    %bitcast_convert_type3A_17 = tpu.bitcast %convert_element_type3A_16 : vector<2048x64xi16> -> vector<2048x64xbf16>
    %shift_right_logical3A_18 = arith.constant 16 : i32
    %shift_right_logical3A_19 = vector.broadcast %shift_right_logical3A_18 : i32 to vector<2048x64xi32>
    %shift_right_logical3A_20 = arith.shrui %bitcast_convert_type3A_12, %shift_right_logical3A_19 : vector<2048x64xi32>
    %convert_element_type3A_21 = arith.trunci %shift_right_logical3A_20 : vector<2048x64xi32> to vector<2048x64xi16>
    %bitcast_convert_type3A_22 = tpu.bitcast %convert_element_type3A_21 : vector<2048x64xi16> -> vector<2048x64xbf16>
    %get3A_23 = arith.constant 0 : index
    %get3A_24 = arith.constant 0 : index
    %get3A_25 = vector.load %arg6[%get3A_23, %get3A_24] : memref<2048x1xi32, #tpu.memory_space<vmem>>, vector<2048x1xi32>
    %ne3A = arith.constant 0 : i32
    %ne3A_26 = vector.broadcast %ne3A : i32 to vector<2048x1xi32>
    %ne3A_27 = arith.cmpi ne, %get3A_25, %ne3A_26 : vector<2048x1xi32>
    %broadcast_in_dim3A = vector.shape_cast %ne3A_27 : vector<2048x1xi1> to vector<2048x1xi1>
    %broadcast_in_dim3A_28 = vector.broadcast %broadcast_in_dim3A : vector<2048x1xi1> to vector<2048x64xi1>
    %select_n3A = arith.select %broadcast_in_dim3A_28, %bitcast_convert_type3A_8, %bitcast_convert_type3A_4 : vector<2048x64xi1>, vector<2048x64xbf16>
    %get3A_29 = arith.constant 0 : index
    %get3A_30 = arith.constant 0 : index
    %get3A_31 = vector.load %arg7[%get3A_29, %get3A_30] : memref<2048x1xi32, #tpu.memory_space<vmem>>, vector<2048x1xi32>
    %ne3A_32 = arith.constant 0 : i32
    %ne3A_33 = vector.broadcast %ne3A_32 : i32 to vector<2048x1xi32>
    %ne3A_34 = arith.cmpi ne, %get3A_31, %ne3A_33 : vector<2048x1xi32>
    %broadcast_in_dim3A_35 = vector.shape_cast %ne3A_34 : vector<2048x1xi1> to vector<2048x1xi1>
    %broadcast_in_dim3A_36 = vector.broadcast %broadcast_in_dim3A_35 : vector<2048x1xi1> to vector<2048x64xi1>
    %select_n3A_37 = arith.select %broadcast_in_dim3A_36, %bitcast_convert_type3A_22, %bitcast_convert_type3A_17 : vector<2048x64xi1>, vector<2048x64xbf16>
    %get3A_38 = arith.constant 0 : index
    %get3A_39 = arith.constant 0 : index
    %get3A_40 = vector.load %arg8[%get3A_38, %get3A_39] : memref<64x128xbf16, #tpu.memory_space<vmem>>, vector<64x128xbf16>
    %dot_general3A = arith.constant dense<0.000000e+00> : vector<2048x128xf32>
    %dot_general3A_41 = tpu.matmul %select_n3A, %get3A_40, %dot_general3A {dimension_numbers = #tpu.dot_dimension_numbers<[1], [0], [0], [1], [0, 0, 1, 1], [], []>, transpose_lhs_hint = false} : vector<2048x64xbf16>, vector<64x128xbf16>, vector<2048x128xf32> -> vector<2048x128xf32>
    %get3A_42 = arith.constant 0 : index
    %get3A_43 = arith.constant 0 : index
    %get3A_44 = vector.load %arg9[%get3A_42, %get3A_43] : memref<64x128xbf16, #tpu.memory_space<vmem>>, vector<64x128xbf16>
    %dot_general3A_45 = arith.constant dense<0.000000e+00> : vector<2048x128xf32>
    %dot_general3A_46 = tpu.matmul %select_n3A_37, %get3A_44, %dot_general3A_45 {dimension_numbers = #tpu.dot_dimension_numbers<[1], [0], [0], [1], [0, 0, 1, 1], [], []>, transpose_lhs_hint = false} : vector<2048x64xbf16>, vector<64x128xbf16>, vector<2048x128xf32> -> vector<2048x128xf32>
    %add3A = arith.addf %dot_general3A_41, %dot_general3A_46 : vector<2048x128xf32>
    %get3A_47 = arith.constant 0 : index
    %get3A_48 = arith.constant 0 : index
    %get3A_49 = vector.load %arg3[%get3A_47, %get3A_48] : memref<2048x32xf32, #tpu.memory_space<vmem>>, vector<2048x32xf32>
    %convert_element_type3A_50 = arith.truncf %get3A_49 : vector<2048x32xf32> to vector<2048x32xbf16>
    %get3A_51 = arith.constant 0 : index
    %get3A_52 = arith.constant 0 : index
    %get3A_53 = vector.load %arg10[%get3A_51, %get3A_52] : memref<32x128xbf16, #tpu.memory_space<vmem>>, vector<32x128xbf16>
    %dot_general3A_54 = arith.constant dense<0.000000e+00> : vector<2048x128xf32>
    %dot_general3A_55 = tpu.matmul %convert_element_type3A_50, %get3A_53, %dot_general3A_54 {dimension_numbers = #tpu.dot_dimension_numbers<[1], [0], [0], [1], [0, 0, 1, 1], [], []>, transpose_lhs_hint = false} : vector<2048x32xbf16>, vector<32x128xbf16>, vector<2048x128xf32> -> vector<2048x128xf32>
    %add3A_56 = arith.addf %add3A, %dot_general3A_55 : vector<2048x128xf32>
    %get3A_57 = arith.constant 0 : index
    %get3A_58 = arith.constant 0 : index
    %get3A_59 = vector.load %arg4[%get3A_57, %get3A_58] : memref<2048x32xf32, #tpu.memory_space<vmem>>, vector<2048x32xf32>
    %convert_element_type3A_60 = arith.truncf %get3A_59 : vector<2048x32xf32> to vector<2048x32xbf16>
    %get3A_61 = arith.constant 0 : index
    %get3A_62 = arith.constant 0 : index
    %get3A_63 = vector.load %arg11[%get3A_61, %get3A_62] : memref<32x128xbf16, #tpu.memory_space<vmem>>, vector<32x128xbf16>
    %dot_general3A_64 = arith.constant dense<0.000000e+00> : vector<2048x128xf32>
    %dot_general3A_65 = tpu.matmul %convert_element_type3A_60, %get3A_63, %dot_general3A_64 {dimension_numbers = #tpu.dot_dimension_numbers<[1], [0], [0], [1], [0, 0, 1, 1], [], []>, transpose_lhs_hint = false} : vector<2048x32xbf16>, vector<32x128xbf16>, vector<2048x128xf32> -> vector<2048x128xf32>
    %add3A_66 = arith.addf %add3A_56, %dot_general3A_65 : vector<2048x128xf32>
    %get3A_67 = arith.constant 0 : index
    %get3A_68 = arith.constant 0 : index
    %get3A_69 = vector.load %arg5[%get3A_67, %get3A_68] : memref<2048x1xf32, #tpu.memory_space<vmem>>, vector<2048x1xf32>
    %get3A_70 = arith.constant 0 : index
    %get3A_71 = arith.constant 0 : index
    %get3A_72 = vector.load %arg12[%get3A_70, %get3A_71] : memref<1x128xf32, #tpu.memory_space<vmem>>, vector<1x128xf32>
    %mul3A = vector.broadcast %get3A_69 : vector<2048x1xf32> to vector<2048x128xf32>
    %mul3A_73 = vector.broadcast %get3A_72 : vector<1x128xf32> to vector<2048x128xf32>
    %mul3A_74 = arith.mulf %mul3A, %mul3A_73 : vector<2048x128xf32>
    %add3A_75 = arith.addf %add3A_66, %mul3A_74 : vector<2048x128xf32>
    %get3A_76 = arith.constant 0 : index
    %get3A_77 = arith.constant 0 : index
    %get3A_78 = vector.load %arg13[%get3A_76, %get3A_77] : memref<1x128xf32, #tpu.memory_space<vmem>>, vector<1x128xf32>
    %add3A_79 = vector.broadcast %get3A_78 : vector<1x128xf32> to vector<2048x128xf32>
    %add3A_80 = arith.addf %add3A_75, %add3A_79 : vector<2048x128xf32>
    %max3A = arith.constant 0.000000e+00 : f32
    %max3A_81 = vector.broadcast %max3A : f32 to vector<2048x128xf32>
    %max3A_82 = arith.maximumf %add3A_80, %max3A_81 : vector<2048x128xf32>
    %get3A_83 = arith.constant 0 : index
    %get3A_84 = arith.constant 0 : index
    %get3A_85 = vector.load %arg14[%get3A_83, %get3A_84] : memref<128x1xf32, #tpu.memory_space<vmem>>, vector<128x1xf32>
    %dot_general3A_86 = arith.constant dense<0.000000e+00> : vector<2048x1xf32>
    %dot_general3A_87 = tpu.matmul %max3A_82, %get3A_85, %dot_general3A_86 {dimension_numbers = #tpu.dot_dimension_numbers<[1], [0], [0], [1], [0, 0, 1, 1], [], []>, transpose_lhs_hint = false} : vector<2048x128xf32>, vector<128x1xf32>, vector<2048x1xf32> -> vector<2048x1xf32>
    %get3A_88 = arith.constant 0 : index
    %get3A_89 = arith.constant 0 : index
    %get3A_90 = vector.load %arg15[%get3A_88, %get3A_89] : memref<1x1xf32, #tpu.memory_space<vmem>>, vector<1x1xf32>
    %add3A_91 = vector.broadcast %get3A_90 : vector<1x1xf32> to vector<2048x1xf32>
    %add3A_92 = arith.addf %dot_general3A_87, %add3A_91 : vector<2048x1xf32>
    %swap3A = arith.constant 0 : index
    %swap3A_93 = arith.constant 0 : index
    %swap3A_94 = vector.load %arg16[%swap3A, %swap3A_93] : memref<2048x1xf32, #tpu.memory_space<vmem>>, vector<2048x1xf32>
    tpu.vector_store %arg16[%swap3A, %swap3A_93], %add3A_92 {strides = array<i32>} : memref<2048x1xf32, #tpu.memory_space<vmem>>, vector<2048x1xf32>,
    return
  }
  func.func @transform_0(%arg0: i32) -> (i32, i32) {
    %c0_i32 = arith.constant 0 : i32
    %c0_i32_0 = arith.constant 0 : i32
    return %arg0, %c0_i32 : i32, i32
  }
  func.func @transform_1(%arg0: i32) -> (i32, i32) {
    %c0_i32 = arith.constant 0 : i32
    %c0_i32_0 = arith.constant 0 : i32
    return %arg0, %c0_i32 : i32, i32
  }
  func.func @transform_2(%arg0: i32) -> (i32, i32) {
    %c0_i32 = arith.constant 0 : i32
    %c0_i32_0 = arith.constant 0 : i32
    return %arg0, %c0_i32 : i32, i32
  }
  func.func @transform_3(%arg0: i32) -> (i32, i32) {
    %c0_i32 = arith.constant 0 : i32
    %c0_i32_0 = arith.constant 0 : i32
    return %arg0, %c0_i32 : i32, i32
  }
  func.func @transform_4(%arg0: i32) -> (i32, i32) {
    %c0_i32 = arith.constant 0 : i32
    %c0_i32_0 = arith.constant 0 : i32
    return %arg0, %c0_i32 : i32, i32
  }
  func.func @transform_5(%arg0: i32) -> (i32, i32) {
    %c0_i32 = arith.constant 0 : i32
    %c0_i32_0 = arith.constant 0 : i32
    return %arg0, %c0_i32 : i32, i32
  }
  func.func @transform_6(%arg0: i32) -> (i32, i32) {
    %c0_i32 = arith.constant 0 : i32
    %c0_i32_0 = arith.constant 0 : i32
    return %arg0, %c0_i32 : i32, i32
  }
  func.func @transform_7(%arg0: i32) -> (i32, i32) {
    %c0_i32 = arith.constant 0 : i32
    %c0_i32_0 = arith.constant 0 : i32
    %c0_i32_1 = arith.constant 0 : i32
    return %c0_i32, %c0_i32_0 : i32, i32
  }
  func.func @transform_8(%arg0: i32) -> (i32, i32) {
    %c0_i32 = arith.constant 0 : i32
    %c0_i32_0 = arith.constant 0 : i32
    %c0_i32_1 = arith.constant 0 : i32
    return %c0_i32, %c0_i32_0 : i32, i32
  }
  func.func @transform_9(%arg0: i32) -> (i32, i32) {
    %c0_i32 = arith.constant 0 : i32
    %c0_i32_0 = arith.constant 0 : i32
    %c0_i32_1 = arith.constant 0 : i32
    return %c0_i32, %c0_i32_0 : i32, i32
  }
  func.func @transform_10(%arg0: i32) -> (i32, i32) {
    %c0_i32 = arith.constant 0 : i32
    %c0_i32_0 = arith.constant 0 : i32
    %c0_i32_1 = arith.constant 0 : i32
    return %c0_i32, %c0_i32_0 : i32, i32
  }
  func.func @transform_11(%arg0: i32) -> (i32, i32) {
    %c0_i32 = arith.constant 0 : i32
    %c0_i32_0 = arith.constant 0 : i32
    %c0_i32_1 = arith.constant 0 : i32
    return %c0_i32, %c0_i32_0 : i32, i32
  }
  func.func @transform_12(%arg0: i32) -> (i32, i32) {
    %c0_i32 = arith.constant 0 : i32
    %c0_i32_0 = arith.constant 0 : i32
    %c0_i32_1 = arith.constant 0 : i32
    return %c0_i32, %c0_i32_0 : i32, i32
  }
  func.func @transform_13(%arg0: i32) -> (i32, i32) {
    %c0_i32 = arith.constant 0 : i32
    %c0_i32_0 = arith.constant 0 : i32
    %c0_i32_1 = arith.constant 0 : i32
    return %c0_i32, %c0_i32_0 : i32, i32
  }
  func.func @transform_14(%arg0: i32) -> (i32, i32) {
    %c0_i32 = arith.constant 0 : i32
    %c0_i32_0 = arith.constant 0 : i32
    %c0_i32_1 = arith.constant 0 : i32
    return %c0_i32, %c0_i32_0 : i32, i32
  }
  func.func @transform_15(%arg0: i32) -> (i32, i32) {
    %c0_i32 = arith.constant 0 : i32
    %c0_i32_0 = arith.constant 0 : i32
    return %arg0, %c0_i32 : i32, i32
  }
}

</mosaic_0001>

<sc_bundles>
// kernel: kernel.10.cloned.1.call-start
scs
__scs_entry_jumppad:
0x0: {  	(pc) =	sbr.rel $0x88, $3  }
0x1: {  	(tag) =	ssettag $0x0;
	lr =	simm.s32 $0x1  }
0x2: {  	[smem:$0x3F94] =	sst lr;
	_ =	strace $0xD0000000  }
0x3: {  	_ = 	snop  }
0x4: {  	_ = 	snop  }
0x5: {  	_ = 	snop  }
0x6: {  	_ = 	snop  }
0x7: {  	_ = 	snop  }
__scs_overlays_trampoline_lowered:
0x8: {  	[smem:$0x3FA3] =	sst s0  }
0x9: {  	[smem:$0x3FA4] =	sst s1  }
0xa: {  	[smem:$0x3FA5] =	sst s2  }
0xb: {  	[smem:$0x3FA6] =	sst s3  }
0xc: {  	[smem:$0x3FA7] =	sst s4  }
0xd: {  	[smem:$0x3FA8] =	sst s5  }
0xe: {  	[smem:$0x3FA9] =	sst s6  }
0xf: {  	[smem:$0x3FAA] =	sst s7  }
0x10: {  	[smem:$0x3FAB] =	sst s8  }
0x11: {  	[smem:$0x3FAC] =	sst s9;
	s0 =	simm.s32 @!p0 $0x0  }
0x12: {  	s1 =	sld [smem:$0x3F92];
	s0 =	simm.s32 @p0 $0x1  }
0x13: {  	[smem:$0x3FAD] =	sst s0;
	s0 =	simm.s32 @!p1 $0x0  }
0x14: {  	s2 =	sld [smem:$0x3F91];
	s0 =	simm.s32 @p1 $0x1  }
0x15: {  	[smem:$0x3FAE] =	sst s0;
	s0 =	simm.s32 @!p2 $0x0  }
0x16: {  	s3 =	sld [smem:$0x3FDB];
	s0 =	simm.s32 @p2 $0x1  }
0x17: {  	s4 =	simm.s32 $0x1BF5;
	[smem:$0x3FB0] =	sst s0  }
0x18: {  	s0 =	sld [smem:$0x3F93];
	_ =	swait.ge [sflag:s4], $0x0  }
0x19: {  	s7 =	sld [smem:$0x3F94]  }
0x1a: {  	s8 =	sadd.s32 $0xFFFFE003, lr  }
0x1b: {  	s9 =	sadd.s32 $0xFFFFFEF7, lr;
	s5 =	simm.s32 $0xFFFFFFFF;
	p2 =	slt.u32 s8, $0xFFFFF086  }
0x1c: {  	p1 =	slt.u32 s9, $0xF7A;
	s5 =	simm.s32 @!p2 $0x0  }
0x1d: {  	s5 =	simm.s32 @p1 $0x1;
	p0 =	seq.s32 s7, s2  }
0x1e: {  	s7 =	smul.u32 @!p0 $0xF7A, s2;
	p2 =	seq.s32 @!p0 s5, $0x0  }
0x1f: {  	s9 =	smul.u32 $0xF7A, s1;
	s8 =	simm.s32 @!p0 $0x1BF5;
	p2 =	por !p2, p0  }
0x20: {  	[sflag:s8] =	ssyncset.s32 @!p0 $0xFFFFF086;
	s6 =	sadd.s32 @!p0 s3, s7;
	s7 =	simm.s32 @!p0 $0x108  }
0x21: {  	s3 =	sadd.s32 s3, s9;
	s6 =	sadd.s32 @!p0 $0x88, s6;
	s7 =	simm.s32 @p2 $0x1082  }
0x22: {  	[simem:s7], [sflag:s8] =	dma.local @!p0 [hbm:s6], $0xF7A  }
0x23: {  	s9 =	sor.u32 $0xD0000000, s2;
	s6 =	simm.s32 $0x108;
	_ =	swait.ge @!p0 [sflag:s8], $0x0  }
0x24: {  	s3 =	sadd.s32 $0x88, s3;
	s6 =	simm.s32 @!p1 $0x1082;
	[sflag:s4] =	ssyncset.s32 $0xFFFFF086  }
0x25: {  	[simem:s6], [sflag:s4] =	dma.local [hbm:s3], $0xF7A  }
0x26: {  	[smem:$0x3F94] =	sst s1;
	(tag) =	ssettag s2;
	_ =	strace s9  }
0x27: {  	s1 =	sld [smem:$0x3FA4]  }
0x28: {  	s2 =	sld [smem:$0x3FA5]  }
0x29: {  	s4 =	sld [smem:$0x3FA7]  }
0x2a: {  	p0 =	seq.s32 s5, $0x0;
	s5 =	sld [smem:$0x3FA8]  }
0x2b: {  	s6 =	sld [smem:$0x3FA9]  }
0x2c: {  	s7 =	sld [smem:$0x3FAA]  }
0x2d: {  	s3 =	simm.s32 $0x108;
	s8 =	sld [smem:$0x3FAB]  }
0x2e: {  	s3 =	simm.s32 @!p0 $0x1082;
	s9 =	sld [smem:$0x3FAC]  }
0x2f: {  	lr =	sadd.s32 s0, s3;
	s0 =	sld [smem:$0x3FA3]  }
0x30: {  	s3 =	sld [smem:$0x3FA6]  }
0x31: {  	[smem:$0x3FAF] =	sst s10  }
0x32: {  	s10 =	sld [smem:$0x3FAD];
	_ =	sdelay $0x3  }
0x33: {  	p0 =	seq.s32 s10, $0x1;
	s10 =	sld [smem:$0x3FAF];
	_ =	sdelay $0x3  }
0x34: {  	[smem:$0x3FAF] =	sst s10  }
0x35: {  	s10 =	sld [smem:$0x3FAE];
	_ =	sdelay $0x3  }
0x36: {  	p1 =	seq.s32 s10, $0x1;
	s10 =	sld [smem:$0x3FAF];
	_ =	sdelay $0x3  }
0x37: {  	[smem:$0x3FAF] =	sst s10  }
0x38: {  	s10 =	sld [smem:$0x3FB0]  }
0x39: {  	_ = 	snop;
	(pc) =	sbr.ind lr, $3  }
0x3a: {  	_ = 	snop  }
0x3b: {  	_ = 	snop  }
0x3c: {  	p2 =	seq.s32 s10, $0x1;
	s10 =	sld [smem:$0x3FAF]  }
0x3d: {  	_ =	shalt  }
0x3e: {  	_ =	shalt  }
0x3f: {  	_ =	shalt  }
0x40: {  	_ =	shalt  }
0x41: {  	_ =	shalt  }
0x42: {  	_ =	shalt  }
0x43: {  	_ =	shalt  }
0x44: {  	_ =	shalt  }
0x45: {  	_ =	shalt  }
0x46: {  	_ =	shalt  }
0x47: {  	_ =	shalt  }
0x48: {  	_ =	shalt  }
0x49: {  	_ =	shalt  }
0x4a: {  	_ =	shalt  }
0x4b: {  	_ =	shalt  }
0x4c: {  	_ =	shalt  }
0x4d: {  	_ =	shalt  }
0x4e: {  	_ =	shalt  }
0x4f: {  	_ =	shalt  }
0x50: {  	_ =	shalt  }
0x51: {  	_ =	shalt  }
0x52: {  	_ =	shalt  }
0x53: {  	_ =	shalt  }
0x54: {  	_ =	shalt  }
0x55: {  	_ =	shalt  }
0x56: {  	_ =	shalt  }
0x57: {  	_ =	shalt  }
0x58: {  	_ =	shalt  }
0x59: {  	_ =	shalt  }
0x5a: {  	_ =	shalt  }
0x5b: {  	_ =	shalt  }
0x5c: {  	_ =	shalt  }
0x5d: {  	_ =	shalt  }
0x5e: {  	_ =	shalt  }
0x5f: {  	_ =	shalt  }
0x60: {  	_ =	shalt  }
0x61: {  	_ =	shalt  }
0x62: {  	_ =	shalt  }
0x63: {  	_ =	shalt  }
0x64: {  	_ =	shalt  }
0x65: {  	_ =	shalt  }
0x66: {  	_ =	shalt  }
0x67: {  	_ =	shalt  }
0x68: {  	_ =	shalt  }
0x69: {  	_ =	shalt  }
0x6a: {  	_ =	shalt  }
0x6b: {  	_ =	shalt  }
0x6c: {  	_ =	shalt  }
0x6d: {  	_ =	shalt  }
0x6e: {  	_ =	shalt  }
0x6f: {  	_ =	shalt  }
0x70: {  	_ =	shalt  }
0x71: {  	_ =	shalt  }
0x72: {  	_ =	shalt  }
0x73: {  	_ =	shalt  }
0x74: {  	_ =	shalt  }
0x75: {  	_ =	shalt  }
0x76: {  	_ =	shalt  }
0x77: {  	_ =	shalt  }
0x78: {  	_ =	shalt  }
0x79: {  	_ =	shalt  }
0x7a: {  	_ =	shalt  }
0x7b: {  	_ =	shalt  }
0x7c: {  	_ =	shalt  }
0x7d: {  	_ =	shalt  }
0x7e: {  	_ =	shalt  }
0x7f: {  	_ =	shalt  }
0x80: {  	_ =	shalt  }
0x81: {  	_ =	shalt  }
0x82: {  	_ =	shalt  }
0x83: {  	_ =	shalt  }
0x84: {  	_ =	shalt  }
0x85: {  	_ =	shalt  }
0x86: {  	_ =	shalt  }
0x87: {  	_ =	shalt  }
.Lfunc_end0:
.L_simem_size_0:
called_computation.1_lowered:
.L_overlay_start_0:
0x88: {  	s2 =	sld [smem:$0x3FD9]  }
0x89: {  	s3 =	sld [smem:$0x3FFE];
	_ =	sdelay $0x1  }
0x8a: {  	s1 =	srdreg.scid  }
0x8b: {  	s0 =	sand.u32 $0x1, s1  }
0x8c: {  	s16 =	sshll.u32 s0, $0xA;
	s2 =	sadd.s32 s3, s2  }
0x8d: {  	s2 =	sadd.s32 s2, s16  }
0x8e: {  	[smem:$0x3FBB] =	sst s2  }
0x8f: {  	_ = 	snop  }
0x90: {  	(tm) =	ssettm $0x1  }
0x91: {  	s17 =	sld [smem:$0x3FFB];
	_ =	sdelay $0x3  }
0x92: {  	_ =	strace s17  }
0x93: {  	s2 =	sld [smem:$0x3FFC];
	_ =	sdelay $0x3  }
0x94: {  	_ =	strace s2  }
0x95: {  	s2 =	sld [smem:$0x3FFD];
	_ =	sdelay $0x3  }
0x96: {  	_ =	strace s2  }
0x97: {  	_ =	strace $0x8FFFFFFF  }
0x98: {  	s18 =	sld [smem:$0x3FDB];
	_ =	sdelay $0x1  }
0x99: {  	s19 =	simm.s32 $_scs_section_size  }
0x9a: {  	s4 =	simm.s32 $_size__tile_overlayer_lowered;
	s5 =	simm.s32 $_tile_overlayer_lowered  }
0x9b: {  	s22 =	simm.s32 $0x1BFF;
	s21 =	sshll.u32 s5, $0x1;
	s2 =	sadd.s32 s19, s18  }
0x9c: {  	s6 =	simm.s32 $0x0;
	s20 =	sshll.u32 s4, $0x1;
	s4 =	sadd.s32 s21, s2  }
0x9d: {  	[timem:s6], [sflag:s22] =	dma.local [hbm:s4], s20  }
0x9e: {  	_ =	swait.ge [sflag:s22], s20  }
0x9f: {  	s3 =	ssub.s32 $0x0, s20;
	[sflag:s22] =	ssyncset.done $0x0  }
0xa0: {  	[sflag:s22] =	ssyncadd.s32 s3;
	_ =	sdelay $0x1  }
0xa1: {  	s23 =	simm.s32 $0x1B8B  }
0xa2: {  	_ =	swait.ge [sflag:s23], $0x1  }
0xa3: {  	[sflag:s23] =	ssyncset.done $0x0  }
0xa4: {  	s25 =	simm.s32 $0x1B8E;
	s24 =	sld [smem:$0x3FFE];
	[sflag:s23] =	ssyncadd.s32 $0xFFFFFFFF  }
0xa5: {  	s26 =	simm.s32 $execute0_lowered;
	[smem:$0x3FD2] =	sst s25  }
0xa6: {  	s4 =	sshll.u32 s26, $0x1;
	_ =	strace $0x80000046;
	[dreg:$0x1] =	wrdreg $0xFFFFFFFF  }
0xa7: {  	s28 =	simm.s32 $_size_execute0_lowered;
	s2 =	sadd.s32 s2, s4;
	[dreg:$0x0] =	wrdreg $0x0  }
0xa8: {  	s4 =	sshll.u32 s28, $0x1;
	[dreg:$0x2] =	wrdreg s2  }
0xa9: {  	[dreg:$0x3] =	wrdreg s4  }
0xaa: {  	[dreg:$0x4] =	wrdreg $0xC0  }
0xab: {  	_ =	task [dreg:s6], $0x5FFFF  }
0xac: {  	[dreg:$0x1] =	wrdreg $0xFFFFFFFF  }
0xad: {  	[dreg:$0x0] =	wrdreg $0x60  }
0xae: {  	[dreg:$0x2] =	wrdreg s24  }
0xaf: {  	[dreg:$0x3] =	wrdreg $0xA  }
0xb0: {  	_ =	task.clear_ibuf [dreg:s6], $0x4FFFF;
	_ =	strace $0x90000046  }
0xb1: {  	s29 =	simm.s32 $0xA;
	_ =	strace $0x80000048  }
0xb2: {  	_ =	swait.ge [sflag:s29], $0x1  }
0xb3: {  	[sflag:s29] =	ssyncadd.s32 $0xFFFFFFFF  }
0xb4: {  	_ =	strace $0x90000048  }
0xb5: {  	_ =	sfence  }
0xb6: {  	s30 =	sld [smem:$0x0];
	_ =	sdelay $0x2  }
0xb7: {  	s31 =	sshll.u32 s1, $0xD;
	s1 =	sshrl.u32 s1, $0x2  }
0xb8: {  	s3 =	sand.u32 $0x4000, s31;
	s1 =	sadd.s32 s1, s30  }
0xb9: {  	s0 =	sor.u32 s3, s0;
	s1 =	sshll.u32 s1, $0x11  }
0xba: {  	s0 =	sor.u32 s1, s0  }
0xbb: {  	s0 =	sadd.s32 $0x8F2B, s0  }
0xbc: {  	[sflag:s0] =	ssyncadd.remote.s32 $0x1  }
0xbd: {  	_ =	sfence.sel $0xFFFF  }
0xbe: {  	[dreg:$0x0] =	wrdreg $0xFFFFFFFF;
	(pc) =	sbr.abs _section_cstart, $3  }
0xbf: {  	[dreg:$0x1] =	wrdreg $0xFFFFFFFF  }
0xc0: {  	_ =	task.clear_ibuf [dreg:s6], $0x2FFFF;
	_ =	strace $0x9FFFFFFF  }
0xc1: {  	(tm) =	ssettm $0x7FFFFFFF  }
tec
execute0_lowered:
.L_overlay_start_1:
0x0: {  	(tag) =	ssettag $0x1  }
0x1: {  	s1 =	srdreg.scid  }
0x2: {  	s0 =	stileid.u32;
	s14 =	sand.u32 $0x1, s1  }
0x3: {  	s29 =	sshll.u32 s0, $0xA;
	s2 =	sshll.u32 s14, $0x9  }
0x4: {  	s15 =	rddreg [dreg:$0x0];
	s16 =	sor.u32 s2, s29  }
0x5: {  	s1 =	rddreg [dreg:$0x1];
	s2 =	simm.s32 $0x0;
	s3 =	sshrl.u32 s16, $0x3  }
0x6: {  	[smem:$0x7FF] =	sst s2;
	s3 =	sadd.s32 s3, s15  }
0x7: {  	_ =	strace $0x80000047;
	s4 =	sadd.s32 $0x2600, s3;
	s3 =	simm.s32 $0x2  }
0x8: {  	[tilespmem:s2], [sflag:$0x2] =	stream.linear.gather [hbm4b:s4+s2], $0x200, $0x38;
	[tilespmem:$0x8200] =	vst v63  }
0x9: {  	_ =	swait.ge [sflag:s3], $0x200  }
0xa: {  	s6 =	simm.s32 $0x80;
	[sflag:s3] =	ssyncset.done $0x0  }
0xb: {  	s7 =	simm.s32 $0x200;
	s5 =	sadd.s32 $0x2E00, s15;
	[sflag:s3] =	ssyncadd.s32 $0xFFFFFE00  }
0xc: {  	[tilespmem:s7], [sflag:$0x1] =	stream.indirect.gather [hbm4b:s5+s6], $0x40, s2, s6, $0xb8;
	[tilespmem:$0x8200] =	vst v63  }
0xd: {  	s8 =	simm.s32 $0x2200  }
0xe: {  	[tilespmem:s8], [sflag:$0x1] =	stream.indirect.gather [hbm4b:s5+s6], $0x40, s6, s6, $0xb8;
	[tilespmem:$0x8200] =	vst v63  }
0xf: {  	s9 =	simm.s32 $0x100;
	s10 =	simm.s32 $0x4200  }
0x10: {  	[tilespmem:s10], [sflag:$0x1] =	stream.indirect.gather [hbm4b:s5+s6], $0x40, s9, s6, $0xb8;
	[tilespmem:$0x8200] =	vst v63  }
0x11: {  	s11 =	simm.s32 $0x180;
	s12 =	simm.s32 $0x6200;
	s13 =	simm.s32 $0x1  }
0x12: {  	[tilespmem:s12], [sflag:$0x1] =	stream.indirect.gather [hbm4b:s5+s6], $0x40, s11, s6, $0xb8;
	[tilespmem:$0x8200] =	vst v63  }
0x13: {  	_ =	swait.ge [sflag:s13], $0x2000  }
0x14: {  	[sflag:s13] =	ssyncset.done $0x0  }
0x15: {  	[sflag:s13] =	ssyncadd.s32 $0xFFFFE000  }
0x16: {  	_ =	swait.ge [sflag:s13], $0x2000  }
0x17: {  	[sflag:s13] =	ssyncset.done $0x0  }
0x18: {  	s14 =	ssub.s32 $0x2, s14;
	[sflag:s13] =	ssyncadd.s32 $0xFFFFE000  }
0x19: {  	s17 =	sshrl.u32 s14, $0x1;
	_ =	swait.ge [sflag:s13], $0x2000  }
0x1a: {  	s30 =	ssub.s32 s14, s17;
	[sflag:s13] =	ssyncset.done $0x0  }
0x1b: {  	s31 =	smax.u32 s30, $0x1;
	[sflag:s13] =	ssyncadd.s32 $0xFFFFE000  }
0x1c: {  	s16 =	sshll.u32 s16, $0x3;
	p0 =	sne.s32 s31, $0x1;
	_ =	swait.ge [sflag:s13], $0x2000  }
.Ltmp0:
0x1d: {  	s15 =	sadd.s32 s16, s15;
	[sflag:s13] =	ssyncset.done $0x0;
	(pc) =	sbr.rel @!p0 .LBB2_2-.Ltmp0, $4  }
0x1e: {  	s14 =	sadd.s32 $0x3E2E00, s15;
	[sflag:s13] =	ssyncadd.s32 $0xFFFFE000  }
0x1f: {  	[hbm4b:s14+s2] =	stream.linear.scatter [tilespmem:s7], [sflag:$0x2], $0x8000, $0x38;
	[tilespmem:$0x8200] =	vst v63  }
0x20: {  	_ =	swait.ge [sflag:s3], $0x8000  }
0x21: {  	s15 =	sadd.s32 $0xFFFFFFFF, s31;
	[sflag:s3] =	ssyncset.done $0x0  }
.LBB2_1:
0x22: {  	p0 =	sne.s32 s15, $0x1;
	s15 =	sadd.s32 $0xFFFFFFFF, s15;
	[sflag:s3] =	ssyncadd.s32 $0xFFFF8000  }
0x23: {  	[tilespmem:s2], [sflag:$0x2] =	stream.linear.gather [hbm4b:s4+s2], $0x200, $0x38;
	[tilespmem:$0x8200] =	vst v63  }
0x24: {  	_ =	swait.ge [sflag:s3], $0x200  }
0x25: {  	[sflag:s3] =	ssyncset.done $0x0  }
0x26: {  	[sflag:s3] =	ssyncadd.s32 $0xFFFFFE00  }
0x27: {  	[tilespmem:s7], [sflag:$0x1] =	stream.indirect.gather [hbm4b:s5+s6], $0x40, s2, s6, $0xb8;
	[tilespmem:$0x8200] =	vst v63  }
0x28: {  	_ = 	snop  }
0x29: {  	[tilespmem:s8], [sflag:$0x1] =	stream.indirect.gather [hbm4b:s5+s6], $0x40, s6, s6, $0xb8;
	[tilespmem:$0x8200] =	vst v63  }
0x2a: {  	_ = 	snop  }
0x2b: {  	[tilespmem:s10], [sflag:$0x1] =	stream.indirect.gather [hbm4b:s5+s6], $0x40, s9, s6, $0xb8;
	[tilespmem:$0x8200] =	vst v63  }
0x2c: {  	_ = 	snop  }
0x2d: {  	[tilespmem:s12], [sflag:$0x1] =	stream.indirect.gather [hbm4b:s5+s6], $0x40, s11, s6, $0xb8;
	[tilespmem:$0x8200] =	vst v63  }
0x2e: {  	_ =	swait.ge [sflag:s13], $0x2000  }
0x2f: {  	[sflag:s13] =	ssyncset.done $0x0  }
0x30: {  	[sflag:s13] =	ssyncadd.s32 $0xFFFFE000  }
0x31: {  	_ =	swait.ge [sflag:s13], $0x2000  }
0x32: {  	[sflag:s13] =	ssyncset.done $0x0  }
0x33: {  	[sflag:s13] =	ssyncadd.s32 $0xFFFFE000  }
0x34: {  	_ =	swait.ge [sflag:s13], $0x2000  }
0x35: {  	[sflag:s13] =	ssyncset.done $0x0  }
0x36: {  	[sflag:s13] =	ssyncadd.s32 $0xFFFFE000  }
0x37: {  	_ =	swait.ge [sflag:s13], $0x2000  }
.Ltmp1:
0x38: {  	[sflag:s13] =	ssyncset.done $0x0;
	(pc) =	sbr.rel @p0 .LBB2_1-.Ltmp1, $4  }
0x39: {  	[sflag:s13] =	ssyncadd.s32 $0xFFFFE000  }
0x3a: {  	[hbm4b:s14+s2] =	stream.linear.scatter [tilespmem:s7], [sflag:$0x2], $0x8000, $0x38;
	[tilespmem:$0x8200] =	vst v63  }
0x3b: {  	_ =	swait.ge [sflag:s3], $0x8000  }
0x3c: {  	[sflag:s3] =	ssyncset.done $0x0  }
.LBB2_2:
0x3d: {  	[sflag:s3] =	ssyncadd.s32 $0xFFFF8000  }
0x3e: {  	_ =	sfence.sel $0x180000  }
0x3f: {  	[bflag:$0x0] =	sbarrier.arrive $0xFFFF  }
0x40: {  	p0 =	sne.s32 s0, $0x0;
	_ =	strace $0x90000047  }
0x41: {  	s0 =	sadd.s32 @!p0 $0x100000, s1;
	[bflag:$0x2] =	sbarrier.arrive $0xFFFF  }
0x42: {  	[sflag:s0] =	ssyncadd.tile.s32 @!p0 $0x1;
	_ =	shalt  }
.Lfunc_end2:
_tile_overlayer_lowered:
.L_overlay_start_2:
0x43: {  	(tag) =	ssettag $0x2  }
0x44: {  	s0 =	rddreg [dreg:$0x0];
	s2 =	stileid.u32  }
0x45: {  	s1 =	rddreg [dreg:$0x1];
	p0 =	sne.s32 s2, $0x0  }
0x46: {  	s3 =	rddreg [dreg:$0x2];
	[bflag:$0x3] =	sbarrier.arrive $0xFFFF;
	s2 =	simm.s32 @!p0 $0x1C02  }
0x47: {  	[timem:s3], [sflag:s2] =	dma.local @!p0 [hbm:s0], s1  }
0x48: {  	s0 =	simm.s32 @!p0 $0x2  }
0x49: {  	_ =	swait.ge @!p0 [sflag:s0], s1  }
0x4a: {  	s1 =	ssub.s32 @!p0 $0x0, s1;
	[sflag:s0] =	ssyncset.done @!p0 $0x0  }
0x4b: {  	[sflag:s0] =	ssyncadd.s32 @!p0 s1  }
0x4c: {  	[bflag:$0x3] =	sbarrier.arrive $0xFFFF  }
0x4d: {  	_ =	shalt  }

// kernel: kernel.7.cloned.1.call-start
scs
__scs_entry_jumppad:
0x0: {  	(pc) =	sbr.rel $0x88, $3  }
0x1: {  	(tag) =	ssettag $0x0;
	lr =	simm.s32 $0x1  }
0x2: {  	[smem:$0x3F94] =	sst lr;
	_ =	strace $0xD0000000  }
0x3: {  	_ = 	snop  }
0x4: {  	_ = 	snop  }
0x5: {  	_ = 	snop  }
0x6: {  	_ = 	snop  }
0x7: {  	_ = 	snop  }
__scs_overlays_trampoline_lowered:
0x8: {  	[smem:$0x3FA3] =	sst s0  }
0x9: {  	[smem:$0x3FA4] =	sst s1  }
0xa: {  	[smem:$0x3FA5] =	sst s2  }
0xb: {  	[smem:$0x3FA6] =	sst s3  }
0xc: {  	[smem:$0x3FA7] =	sst s4  }
0xd: {  	[smem:$0x3FA8] =	sst s5  }
0xe: {  	[smem:$0x3FA9] =	sst s6  }
0xf: {  	[smem:$0x3FAA] =	sst s7  }
0x10: {  	[smem:$0x3FAB] =	sst s8  }
0x11: {  	[smem:$0x3FAC] =	sst s9;
	s0 =	simm.s32 @!p0 $0x0  }
0x12: {  	s1 =	sld [smem:$0x3F92];
	s0 =	simm.s32 @p0 $0x1  }
0x13: {  	[smem:$0x3FAD] =	sst s0;
	s0 =	simm.s32 @!p1 $0x0  }
0x14: {  	s2 =	sld [smem:$0x3F91];
	s0 =	simm.s32 @p1 $0x1  }
0x15: {  	[smem:$0x3FAE] =	sst s0;
	s0 =	simm.s32 @!p2 $0x0  }
0x16: {  	s3 =	sld [smem:$0x3FDB];
	s0 =	simm.s32 @p2 $0x1  }
0x17: {  	s4 =	simm.s32 $0x1BF5;
	[smem:$0x3FB0] =	sst s0  }
0x18: {  	s0 =	sld [smem:$0x3F93];
	_ =	swait.ge [sflag:s4], $0x0  }
0x19: {  	s7 =	sld [smem:$0x3F94]  }
0x1a: {  	s8 =	sadd.s32 $0xFFFFE003, lr  }
0x1b: {  	s9 =	sadd.s32 $0xFFFFFEF7, lr;
	s5 =	simm.s32 $0xFFFFFFFF;
	p2 =	slt.u32 s8, $0xFFFFF086  }
0x1c: {  	p1 =	slt.u32 s9, $0xF7A;
	s5 =	simm.s32 @!p2 $0x0  }
0x1d: {  	s5 =	simm.s32 @p1 $0x1;
	p0 =	seq.s32 s7, s2  }
0x1e: {  	s7 =	smul.u32 @!p0 $0xF7A, s2;
	p2 =	seq.s32 @!p0 s5, $0x0  }
0x1f: {  	s9 =	smul.u32 $0xF7A, s1;
	s8 =	simm.s32 @!p0 $0x1BF5;
	p2 =	por !p2, p0  }
0x20: {  	[sflag:s8] =	ssyncset.s32 @!p0 $0xFFFFF086;
	s6 =	sadd.s32 @!p0 s3, s7;
	s7 =	simm.s32 @!p0 $0x108  }
0x21: {  	s3 =	sadd.s32 s3, s9;
	s6 =	sadd.s32 @!p0 $0x88, s6;
	s7 =	simm.s32 @p2 $0x1082  }
0x22: {  	[simem:s7], [sflag:s8] =	dma.local @!p0 [hbm:s6], $0xF7A  }
0x23: {  	s9 =	sor.u32 $0xD0000000, s2;
	s6 =	simm.s32 $0x108;
	_ =	swait.ge @!p0 [sflag:s8], $0x0  }
0x24: {  	s3 =	sadd.s32 $0x88, s3;
	s6 =	simm.s32 @!p1 $0x1082;
	[sflag:s4] =	ssyncset.s32 $0xFFFFF086  }
0x25: {  	[simem:s6], [sflag:s4] =	dma.local [hbm:s3], $0xF7A  }
0x26: {  	[smem:$0x3F94] =	sst s1;
	(tag) =	ssettag s2;
	_ =	strace s9  }
0x27: {  	s1 =	sld [smem:$0x3FA4]  }
0x28: {  	s2 =	sld [smem:$0x3FA5]  }
0x29: {  	s4 =	sld [smem:$0x3FA7]  }
0x2a: {  	p0 =	seq.s32 s5, $0x0;
	s5 =	sld [smem:$0x3FA8]  }
0x2b: {  	s6 =	sld [smem:$0x3FA9]  }
0x2c: {  	s7 =	sld [smem:$0x3FAA]  }
0x2d: {  	s3 =	simm.s32 $0x108;
	s8 =	sld [smem:$0x3FAB]  }
0x2e: {  	s3 =	simm.s32 @!p0 $0x1082;
	s9 =	sld [smem:$0x3FAC]  }
0x2f: {  	lr =	sadd.s32 s0, s3;
	s0 =	sld [smem:$0x3FA3]  }
0x30: {  	s3 =	sld [smem:$0x3FA6]  }
0x31: {  	[smem:$0x3FAF] =	sst s10  }
0x32: {  	s10 =	sld [smem:$0x3FAD];
	_ =	sdelay $0x3  }
0x33: {  	p0 =	seq.s32 s10, $0x1;
	s10 =	sld [smem:$0x3FAF];
	_ =	sdelay $0x3  }
0x34: {  	[smem:$0x3FAF] =	sst s10  }
0x35: {  	s10 =	sld [smem:$0x3FAE];
	_ =	sdelay $0x3  }
0x36: {  	p1 =	seq.s32 s10, $0x1;
	s10 =	sld [smem:$0x3FAF];
	_ =	sdelay $0x3  }
0x37: {  	[smem:$0x3FAF] =	sst s10  }
0x38: {  	s10 =	sld [smem:$0x3FB0]  }
0x39: {  	_ = 	snop;
	(pc) =	sbr.ind lr, $3  }
0x3a: {  	_ = 	snop  }
0x3b: {  	_ = 	snop  }
0x3c: {  	p2 =	seq.s32 s10, $0x1;
	s10 =	sld [smem:$0x3FAF]  }
0x3d: {  	_ =	shalt  }
0x3e: {  	_ =	shalt  }
0x3f: {  	_ =	shalt  }
0x40: {  	_ =	shalt  }
0x41: {  	_ =	shalt  }
0x42: {  	_ =	shalt  }
0x43: {  	_ =	shalt  }
0x44: {  	_ =	shalt  }
0x45: {  	_ =	shalt  }
0x46: {  	_ =	shalt  }
0x47: {  	_ =	shalt  }
0x48: {  	_ =	shalt  }
0x49: {  	_ =	shalt  }
0x4a: {  	_ =	shalt  }
0x4b: {  	_ =	shalt  }
0x4c: {  	_ =	shalt  }
0x4d: {  	_ =	shalt  }
0x4e: {  	_ =	shalt  }
0x4f: {  	_ =	shalt  }
0x50: {  	_ =	shalt  }
0x51: {  	_ =	shalt  }
0x52: {  	_ =	shalt  }
0x53: {  	_ =	shalt  }
0x54: {  	_ =	shalt  }
0x55: {  	_ =	shalt  }
0x56: {  	_ =	shalt  }
0x57: {  	_ =	shalt  }
0x58: {  	_ =	shalt  }
0x59: {  	_ =	shalt  }
0x5a: {  	_ =	shalt  }
0x5b: {  	_ =	shalt  }
0x5c: {  	_ =	shalt  }
0x5d: {  	_ =	shalt  }
0x5e: {  	_ =	shalt  }
0x5f: {  	_ =	shalt  }
0x60: {  	_ =	shalt  }
0x61: {  	_ =	shalt  }
0x62: {  	_ =	shalt  }
0x63: {  	_ =	shalt  }
0x64: {  	_ =	shalt  }
0x65: {  	_ =	shalt  }
0x66: {  	_ =	shalt  }
0x67: {  	_ =	shalt  }
0x68: {  	_ =	shalt  }
0x69: {  	_ =	shalt  }
0x6a: {  	_ =	shalt  }
0x6b: {  	_ =	shalt  }
0x6c: {  	_ =	shalt  }
0x6d: {  	_ =	shalt  }
0x6e: {  	_ =	shalt  }
0x6f: {  	_ =	shalt  }
0x70: {  	_ =	shalt  }
0x71: {  	_ =	shalt  }
0x72: {  	_ =	shalt  }
0x73: {  	_ =	shalt  }
0x74: {  	_ =	shalt  }
0x75: {  	_ =	shalt  }
0x76: {  	_ =	shalt  }
0x77: {  	_ =	shalt  }
0x78: {  	_ =	shalt  }
0x79: {  	_ =	shalt  }
0x7a: {  	_ =	shalt  }
0x7b: {  	_ =	shalt  }
0x7c: {  	_ =	shalt  }
0x7d: {  	_ =	shalt  }
0x7e: {  	_ =	shalt  }
0x7f: {  	_ =	shalt  }
0x80: {  	_ =	shalt  }
0x81: {  	_ =	shalt  }
0x82: {  	_ =	shalt  }
0x83: {  	_ =	shalt  }
0x84: {  	_ =	shalt  }
0x85: {  	_ =	shalt  }
0x86: {  	_ =	shalt  }
0x87: {  	_ =	shalt  }
.Lfunc_end0:
.L_simem_size_0:
called_computation_lowered:
.L_overlay_start_0:
0x88: {  	s2 =	sld [smem:$0x3FD9]  }
0x89: {  	s3 =	sld [smem:$0x3FFE];
	_ =	sdelay $0x1  }
0x8a: {  	s1 =	srdreg.scid  }
0x8b: {  	s0 =	sand.u32 $0x1, s1  }
0x8c: {  	s17 =	sshll.u32 s0, $0xA;
	s2 =	sadd.s32 s3, s2  }
0x8d: {  	s2 =	sadd.s32 s2, s17  }
0x8e: {  	[smem:$0x3FBB] =	sst s2  }
0x8f: {  	_ = 	snop  }
0x90: {  	s18 =	sld [smem:$0x3FC7]  }
0x91: {  	s4 =	sld [smem:$0x3FC6];
	(tm) =	ssettm $0x1  }
0x92: {  	s19 =	sld [smem:$0x3FFB];
	_ =	sdelay $0x3  }
0x93: {  	_ =	strace s19  }
0x94: {  	s2 =	sld [smem:$0x3FFC];
	_ =	sdelay $0x3  }
0x95: {  	_ =	strace s2  }
0x96: {  	s2 =	sld [smem:$0x3FFD];
	_ =	sdelay $0x3  }
0x97: {  	_ =	strace s2  }
0x98: {  	_ =	strace $0x8FFFFFFF  }
0x99: {  	s20 =	sld [smem:$0x3FDB];
	_ =	sdelay $0x1  }
0x9a: {  	s5 =	simm.s32 $_scs_section_size  }
0x9b: {  	s6 =	simm.s32 $_size__tile_overlayer_lowered;
	s7 =	simm.s32 $_tile_overlayer_lowered  }
0x9c: {  	s8 =	simm.s32 $0x1BFF;
	s21 =	sshll.u32 s7, $0x1;
	s5 =	sadd.s32 s5, s20  }
0x9d: {  	s22 =	simm.s32 $0x0;
	s6 =	sshll.u32 s6, $0x1;
	s7 =	sadd.s32 s21, s5  }
0x9e: {  	[timem:s22], [sflag:s8] =	dma.local [hbm:s7], s6  }
0x9f: {  	_ =	swait.ge [sflag:s8], s6  }
0xa0: {  	s6 =	ssub.s32 $0x0, s6;
	[sflag:s8] =	ssyncset.done $0x0  }
0xa1: {  	[sflag:s8] =	ssyncadd.s32 s6;
	_ =	sdelay $0x1  }
0xa2: {  	s23 =	simm.s32 $0x1B8B  }
0xa3: {  	_ =	swait.ge [sflag:s23], $0x1  }
0xa4: {  	[sflag:s23] =	ssyncset.done $0x0  }
0xa5: {  	[sflag:s23] =	ssyncadd.s32 $0xFFFFFFFF  }
0xa6: {  	s6 =	sld [smem:$0x0]  }
0xa7: {  	s7 =	sand.u32 $0xFFFFFFFE, s1  }
0xa8: {  	p0 =	sne.s32 s1, s7  }
0xa9: {  	s7 =	sshll.u32 @p0 s7, $0xE  }
0xaa: {  	s7 =	sadd.s32 @p0 $0x11B8D, s7;
	s8 =	sshll.u32 @p0 s6, $0x11  }
0xab: {  	s7 =	sor.u32 @p0 s8, s7  }
0xac: {  	[sflag:s7] =	ssyncadd.remote.s32 @p0 $0x1;
	_ =	sdelay $0x1  }
0xad: {  	s7 =	simm.s32 @p0 $0x1B8D  }
0xae: {  	_ =	swait.eq @p0 [sflag:s7], $0x1  }
0xaf: {  	[sflag:s7] =	ssyncadd.s32 @p0 $0xFFFFFFFF  }
0xb0: {  	s8 =	sshll.u32 @!p0 s1, $0xE  }
0xb1: {  	s8 =	sor.u32 @!p0 $0x4000, s8;
	s7 =	simm.s32 @!p0 $0x1B8D  }
0xb2: {  	s6 =	sshll.u32 @!p0 s6, $0x11;
	s8 =	sadd.s32 @!p0 $0x11B8D, s8;
	_ =	swait.eq @!p0 [sflag:s7], $0x1  }
0xb3: {  	s6 =	sor.u32 @!p0 s6, s8;
	[sflag:s7] =	ssyncadd.s32 @!p0 $0xFFFFFFFF  }
0xb4: {  	s25 =	simm.s32 $0x1B8E;
	s24 =	sld [smem:$0x3FFE];
	[sflag:s6] =	ssyncadd.remote.s32 @!p0 $0x1  }
0xb5: {  	s26 =	simm.s32 $execute0_lowered;
	[smem:$0x3FD2] =	sst s25  }
0xb6: {  	s7 =	sshll.u32 s26, $0x1;
	_ =	strace $0x80000049;
	[dreg:$0x1] =	wrdreg $0xFFFFFFFF  }
0xb7: {  	s28 =	simm.s32 $_size_execute0_lowered;
	s5 =	sadd.s32 s5, s7;
	[dreg:$0x0] =	wrdreg $0x0  }
0xb8: {  	s7 =	sshll.u32 s28, $0x1;
	[dreg:$0x2] =	wrdreg s5  }
0xb9: {  	[dreg:$0x3] =	wrdreg s7  }
0xba: {  	[dreg:$0x4] =	wrdreg $0xC0  }
0xbb: {  	_ =	task [dreg:s22], $0x5FFFF  }
0xbc: {  	[dreg:$0x1] =	wrdreg $0xFFFFFFFF  }
0xbd: {  	[dreg:$0x0] =	wrdreg $0x60  }
0xbe: {  	[dreg:$0x2] =	wrdreg s24  }
0xbf: {  	[dreg:$0x3] =	wrdreg s18  }
0xc0: {  	[dreg:$0x4] =	wrdreg s4  }
0xc1: {  	[dreg:$0x5] =	wrdreg $0x9  }
0xc2: {  	_ =	task.clear_ibuf [dreg:s22], $0x6FFFF;
	_ =	strace $0x90000049  }
0xc3: {  	s29 =	simm.s32 $0x9;
	_ =	strace $0x8000004B  }
0xc4: {  	_ =	swait.ge [sflag:s29], $0x1  }
0xc5: {  	[sflag:s29] =	ssyncadd.s32 $0xFFFFFFFF  }
0xc6: {  	_ =	strace $0x9000004B  }
0xc7: {  	_ =	sfence  }
0xc8: {  	s30 =	sld [smem:$0x0];
	_ =	sdelay $0x2  }
0xc9: {  	s31 =	sshll.u32 s1, $0xD;
	s1 =	sshrl.u32 s1, $0x2  }
0xca: {  	s4 =	sand.u32 $0x4000, s31;
	s1 =	sadd.s32 s1, s30  }
0xcb: {  	s0 =	sor.u32 s4, s0;
	s1 =	sshll.u32 s1, $0x11  }
0xcc: {  	s0 =	sor.u32 s1, s0  }
0xcd: {  	s0 =	sadd.s32 $0x8F2B, s0  }
0xce: {  	[sflag:s0] =	ssyncadd.remote.s32 $0x1  }
0xcf: {  	_ =	sfence.sel $0xFFFF  }
0xd0: {  	[dreg:$0x0] =	wrdreg $0xFFFFFFFF;
	(pc) =	sbr.abs _section_cstart, $3  }
0xd1: {  	[dreg:$0x1] =	wrdreg $0xFFFFFFFF  }
0xd2: {  	_ =	task.clear_ibuf [dreg:s22], $0x2FFFF;
	_ =	strace $0x9FFFFFFF  }
0xd3: {  	(tm) =	ssettm $0x7FFFFFFF  }
tec
execute0_lowered:
.L_overlay_start_1:
0x0: {  	(tag) =	ssettag $0x1  }
0x1: {  	s0 =	rddreg [dreg:$0x0];
	s1 =	srdreg.scid  }
0x2: {  	s3 =	rddreg [dreg:$0x1];
	s2 =	stileid.u32  }
0x3: {  	s4 =	rddreg [dreg:$0x2];
	s12 =	simm.s32 $0x200;
	s13 =	simm.s32 $0x400  }
0x4: {  	s11 =	simm.s32 $0x80;
	s14 =	simm.s32 $0x2600;
	s15 =	simm.s32 $0x280  }
0x5: {  	s16 =	simm.s32 $0x9600;
	s17 =	simm.s32 $0x480;
	s18 =	simm.s32 $0xD600  }
0x6: {  	s19 =	simm.s32 $0x100;
	p0 =	por $0x0, $0x0;
	s28 =	simm.s32 $0x380  }
0x7: {  	s29 =	simm.s32 $0xB600;
	s30 =	simm.s32 $0x580;
	s31 =	simm.s32 $0xF600  }
0x8: {  	s1 =	sand.u32 $0x1, s1;
	s5 =	sshll.u32 s2, $0xA;
	s7 =	sadd.s32 $0x402E00, s0  }
0x9: {  	s2 =	simm.s32 $0x0;
	s8 =	sadd.s32 $0x472E00, s0;
	s6 =	sshll.u32 s1, $0x9  }
0xa: {  	[smem:$0x7FF] =	sst s2;
	s1 =	ssub.s32 $0x2, s1;
	s5 =	sor.u32 s6, s5  }
0xb: {  	_ =	strace $0x8000004A;
	s24 =	sshrl.u32 s1, $0x1;
	s6 =	sshrl.u32 s5, $0x3  }
0xc: {  	s10 =	sshll.u32 s5, $0x3;
	s5 =	sshll.u32 s5, $0x2;
	s26 =	ssub.s32 s1, s24  }
0xd: {  	s24 =	simm.s32 $0xE600;
	s9 =	sadd.s32 s6, s0;
	s10 =	sadd.s32 s10, s0  }
0xe: {  	s3 =	sadd.s32 s3, s6;
	s20 =	sadd.s32 s4, s6;
	s21 =	sadd.s32 s5, s0  }
0xf: {  	s6 =	simm.s32 $0x600;
	s5 =	simm.s32 $0x8600;
	[dreg:$0x5] =	wrdreg s3  }
0x10: {  	s4 =	simm.s32 $0xC600;
	s9 =	sadd.s32 $0x474E00, s9;
	[dreg:$0x6] =	wrdreg s20  }
0x11: {  	s22 =	sadd.s32 $0x475600, s10;
	s10 =	sadd.s32 $0x473E00, s0;
	s0 =	smax.u32 s26, $0x1  }
0x12: {  	s23 =	sadd.s32 $0x495600, s21;
	[dreg:$0x4] =	wrdreg s9;
	p1 =	sne.s32 s0, $0x1  }
.Ltmp0:
0x13: {  	s25 =	sadd.s32 $0x4A5600, s21;
	[dreg:$0x7] =	wrdreg s22;
	(pc) =	sbr.rel @!p1 .LBB2_3-.Ltmp0, $4  }
0x14: {  	s3 =	simm.s32 $0x2;
	s20 =	simm.s32 $0x4600;
	[dreg:$0x8] =	wrdreg s23  }
0x15: {  	s21 =	simm.s32 $0x300;
	s26 =	simm.s32 $0x6600;
	[dreg:$0x9] =	wrdreg s25  }
0x16: {  	s22 =	simm.s32 $0xA600;
	s23 =	simm.s32 $0x500;
	s25 =	simm.s32 $0x180  }
0x17: {  	s1 =	sadd.s32 $0xFFFFFFFF, s0;
	s9 =	simm.s32 $0x1;
	s0 =	rddreg [dreg:$0x4]  }
0x18: {  	[tilespmem:s2], [sflag:$0x2] =	stream.linear.gather [hbm4b:s0+s2], $0x200, $0x38;
	[tilespmem:$0x10600] =	vst v63  }
0x19: {  	_ =	swait.ge [sflag:s3], $0x200  }
0x1a: {  	[sflag:s3] =	ssyncset.done $0x0  }
0x1b: {  	s0 =	rddreg [dreg:$0x5];
	[sflag:s3] =	ssyncadd.s32 $0xFFFFFE00  }
0x1c: {  	[tilespmem:s12], [sflag:$0x2] =	stream.linear.gather [hbm4b:s0+s2], $0x200, $0x38;
	[tilespmem:$0x10600] =	vst v63  }
0x1d: {  	_ =	swait.ge [sflag:s3], $0x200  }
0x1e: {  	[sflag:s3] =	ssyncset.done $0x0  }
0x1f: {  	s0 =	rddreg [dreg:$0x6];
	[sflag:s3] =	ssyncadd.s32 $0xFFFFFE00  }
0x20: {  	[tilespmem:s13], [sflag:$0x2] =	stream.linear.gather [hbm4b:s0+s2], $0x200, $0x38;
	[tilespmem:$0x10600] =	vst v63  }
0x21: {  	_ =	swait.ge [sflag:s3], $0x200  }
0x22: {  	[sflag:s3] =	ssyncset.done $0x0  }
0x23: {  	[sflag:s3] =	ssyncadd.s32 $0xFFFFFE00  }
0x24: {  	[tilespmem:s6], [sflag:$0x1] =	stream.indirect.gather [hbm4b:s7+s11], $0x40, s2, s11, $0xb8;
	[tilespmem:$0x10600] =	vst v63  }
0x25: {  	_ = 	snop  }
0x26: {  	[tilespmem:s5], [sflag:$0x1] =	stream.indirect.gather [hbm4b:s8+s11], $0x20, s12, s11, $0xb8;
	[tilespmem:$0x10600] =	vst v63  }
0x27: {  	_ = 	snop  }
0x28: {  	[tilespmem:s4], [sflag:$0x1] =	stream.indirect.gather [hbm4b:s10+s11], $0x20, s13, s11, $0xb8;
	[tilespmem:$0x10600] =	vst v63  }
0x29: {  	_ = 	snop  }
0x2a: {  	[tilespmem:s14], [sflag:$0x1] =	stream.indirect.gather [hbm4b:s7+s11], $0x40, s11, s11, $0xb8;
	[tilespmem:$0x10600] =	vst v63  }
0x2b: {  	_ = 	snop  }
0x2c: {  	[tilespmem:s16], [sflag:$0x1] =	stream.indirect.gather [hbm4b:s8+s11], $0x20, s15, s11, $0xb8;
	[tilespmem:$0x10600] =	vst v63  }
0x2d: {  	_ = 	snop  }
0x2e: {  	[tilespmem:s18], [sflag:$0x1] =	stream.indirect.gather [hbm4b:s10+s11], $0x20, s17, s11, $0xb8;
	[tilespmem:$0x10600] =	vst v63  }
0x2f: {  	_ = 	snop  }
0x30: {  	[tilespmem:s20], [sflag:$0x1] =	stream.indirect.gather [hbm4b:s7+s11], $0x40, s19, s11, $0xb8;
	[tilespmem:$0x10600] =	vst v63  }
0x31: {  	_ = 	snop  }
0x32: {  	[tilespmem:s22], [sflag:$0x1] =	stream.indirect.gather [hbm4b:s8+s11], $0x20, s21, s11, $0xb8;
	[tilespmem:$0x10600] =	vst v63  }
0x33: {  	_ = 	snop  }
0x34: {  	[tilespmem:s24], [sflag:$0x1] =	stream.indirect.gather [hbm4b:s10+s11], $0x20, s23, s11, $0xb8;
	[tilespmem:$0x10600] =	vst v63  }
0x35: {  	_ = 	snop  }
0x36: {  	[tilespmem:s26], [sflag:$0x1] =	stream.indirect.gather [hbm4b:s7+s11], $0x40, s25, s11, $0xb8;
	[tilespmem:$0x10600] =	vst v63  }
0x37: {  	_ = 	snop  }
0x38: {  	[tilespmem:s29], [sflag:$0x1] =	stream.indirect.gather [hbm4b:s8+s11], $0x20, s28, s11, $0xb8;
	[tilespmem:$0x10600] =	vst v63  }
0x39: {  	_ = 	snop  }
0x3a: {  	[tilespmem:s31], [sflag:$0x1] =	stream.indirect.gather [hbm4b:s10+s11], $0x20, s30, s11, $0xb8;
	[tilespmem:$0x10600] =	vst v63  }
0x3b: {  	_ =	swait.ge [sflag:s9], $0x2000  }
0x3c: {  	[sflag:s9] =	ssyncset.done $0x0  }
0x3d: {  	[sflag:s9] =	ssyncadd.s32 $0xFFFFE000  }
0x3e: {  	_ =	swait.ge [sflag:s9], $0x1000  }
0x3f: {  	[sflag:s9] =	ssyncset.done $0x0  }
0x40: {  	[sflag:s9] =	ssyncadd.s32 $0xFFFFF000  }
0x41: {  	_ =	swait.ge [sflag:s9], $0x1000  }
0x42: {  	[sflag:s9] =	ssyncset.done $0x0  }
0x43: {  	[sflag:s9] =	ssyncadd.s32 $0xFFFFF000  }
0x44: {  	_ =	swait.ge [sflag:s9], $0x2000  }
0x45: {  	[sflag:s9] =	ssyncset.done $0x0  }
0x46: {  	[sflag:s9] =	ssyncadd.s32 $0xFFFFE000  }
0x47: {  	_ =	swait.ge [sflag:s9], $0x1000  }
0x48: {  	[sflag:s9] =	ssyncset.done $0x0  }
0x49: {  	[sflag:s9] =	ssyncadd.s32 $0xFFFFF000  }
0x4a: {  	_ =	swait.ge [sflag:s9], $0x1000  }
0x4b: {  	[sflag:s9] =	ssyncset.done $0x0  }
0x4c: {  	[sflag:s9] =	ssyncadd.s32 $0xFFFFF000  }
0x4d: {  	_ =	swait.ge [sflag:s9], $0x2000  }
0x4e: {  	[sflag:s9] =	ssyncset.done $0x0  }
0x4f: {  	[sflag:s9] =	ssyncadd.s32 $0xFFFFE000  }
0x50: {  	_ =	swait.ge [sflag:s9], $0x1000  }
0x51: {  	[sflag:s9] =	ssyncset.done $0x0  }
0x52: {  	[sflag:s9] =	ssyncadd.s32 $0xFFFFF000  }
0x53: {  	_ =	swait.ge [sflag:s9], $0x1000  }
0x54: {  	[sflag:s9] =	ssyncset.done $0x0  }
0x55: {  	[sflag:s9] =	ssyncadd.s32 $0xFFFFF000  }
0x56: {  	_ =	swait.ge [sflag:s9], $0x2000  }
0x57: {  	[sflag:s9] =	ssyncset.done $0x0  }
0x58: {  	[sflag:s9] =	ssyncadd.s32 $0xFFFFE000  }
0x59: {  	_ =	swait.ge [sflag:s9], $0x1000  }
0x5a: {  	[sflag:s9] =	ssyncset.done $0x0  }
0x5b: {  	[sflag:s9] =	ssyncadd.s32 $0xFFFFF000  }
0x5c: {  	_ =	swait.ge [sflag:s9], $0x1000  }
0x5d: {  	[sflag:s9] =	ssyncset.done $0x0  }
0x5e: {  	s0 =	rddreg [dreg:$0x7];
	[sflag:s9] =	ssyncadd.s32 $0xFFFFF000  }
0x5f: {  	[hbm4b:s0+s2] =	stream.linear.scatter [tilespmem:s6], [sflag:$0x2], $0x8000, $0x38;
	[tilespmem:$0x10600] =	vst v63  }
0x60: {  	_ =	swait.ge [sflag:s3], $0x8000  }
0x61: {  	[sflag:s3] =	ssyncset.done $0x0  }
0x62: {  	s0 =	rddreg [dreg:$0x8];
	[sflag:s3] =	ssyncadd.s32 $0xFFFF8000  }
0x63: {  	[hbm4b:s0+s2] =	stream.linear.scatter [tilespmem:s5], [sflag:$0x2], $0x4000, $0x38;
	[tilespmem:$0x10600] =	vst v63  }
0x64: {  	p1 =	sne.s32 s1, $0x1;
	_ =	swait.ge [sflag:s3], $0x4000  }
.Ltmp1:
0x65: {  	[sflag:s3] =	ssyncset.done $0x0;
	(pc) =	sbr.rel @!p1 .LBB2_3-.Ltmp1, $4  }
0x66: {  	s0 =	rddreg [dreg:$0x9];
	[sflag:s3] =	ssyncadd.s32 $0xFFFFC000  }
0x67: {  	[hbm4b:s0+s2] =	stream.linear.scatter [tilespmem:s4], [sflag:$0x2], $0x4000, $0x38;
	[tilespmem:$0x10600] =	vst v63  }
0x68: {  	s1 =	sadd.s32 $0xFFFFFFFF, s1;
	_ =	swait.ge [sflag:s3], $0x4000  }
0x69: {  	p0 =	por $0x1, $0x1;
	s0 =	rddreg [dreg:$0x4];
	[sflag:s3] =	ssyncset.done $0x0  }
.LBB2_2:
0x6a: {  	[sflag:s3] =	ssyncadd.s32 $0xFFFFC000  }
0x6b: {  	[tilespmem:s2], [sflag:$0x2] =	stream.linear.gather [hbm4b:s0+s2], $0x200, $0x38;
	[tilespmem:$0x10600] =	vst v63  }
0x6c: {  	_ =	swait.ge [sflag:s3], $0x200  }
0x6d: {  	[sflag:s3] =	ssyncset.done $0x0  }
0x6e: {  	s0 =	rddreg [dreg:$0x5];
	[sflag:s3] =	ssyncadd.s32 $0xFFFFFE00  }
0x6f: {  	[tilespmem:s12], [sflag:$0x2] =	stream.linear.gather [hbm4b:s0+s2], $0x200, $0x38;
	[tilespmem:$0x10600] =	vst v63  }
0x70: {  	_ =	swait.ge [sflag:s3], $0x200  }
0x71: {  	[sflag:s3] =	ssyncset.done $0x0  }
0x72: {  	s0 =	rddreg [dreg:$0x6];
	[sflag:s3] =	ssyncadd.s32 $0xFFFFFE00  }
0x73: {  	[tilespmem:s13], [sflag:$0x2] =	stream.linear.gather [hbm4b:s0+s2], $0x200, $0x38;
	[tilespmem:$0x10600] =	vst v63  }
0x74: {  	_ =	swait.ge [sflag:s3], $0x200  }
0x75: {  	[sflag:s3] =	ssyncset.done $0x0  }
0x76: {  	[sflag:s3] =	ssyncadd.s32 $0xFFFFFE00  }
0x77: {  	[tilespmem:s6], [sflag:$0x1] =	stream.indirect.gather [hbm4b:s7+s11], $0x40, s2, s11, $0xb8;
	[tilespmem:$0x10600] =	vst v63  }
0x78: {  	_ = 	snop  }
0x79: {  	[tilespmem:s5], [sflag:$0x1] =	stream.indirect.gather [hbm4b:s8+s11], $0x20, s12, s11, $0xb8;
	[tilespmem:$0x10600] =	vst v63  }
0x7a: {  	_ = 	snop  }
0x7b: {  	[tilespmem:s4], [sflag:$0x1] =	stream.indirect.gather [hbm4b:s10+s11], $0x20, s13, s11, $0xb8;
	[tilespmem:$0x10600] =	vst v63  }
0x7c: {  	_ = 	snop  }
0x7d: {  	[tilespmem:s14], [sflag:$0x1] =	stream.indirect.gather [hbm4b:s7+s11], $0x40, s11, s11, $0xb8;
	[tilespmem:$0x10600] =	vst v63  }
0x7e: {  	_ = 	snop  }
0x7f: {  	[tilespmem:s16], [sflag:$0x1] =	stream.indirect.gather [hbm4b:s8+s11], $0x20, s15, s11, $0xb8;
	[tilespmem:$0x10600] =	vst v63  }
0x80: {  	_ = 	snop  }
0x81: {  	[tilespmem:s18], [sflag:$0x1] =	stream.indirect.gather [hbm4b:s10+s11], $0x20, s17, s11, $0xb8;
	[tilespmem:$0x10600] =	vst v63  }
0x82: {  	_ = 	snop  }
0x83: {  	[tilespmem:s20], [sflag:$0x1] =	stream.indirect.gather [hbm4b:s7+s11], $0x40, s19, s11, $0xb8;
	[tilespmem:$0x10600] =	vst v63  }
0x84: {  	_ = 	snop  }
0x85: {  	[tilespmem:s22], [sflag:$0x1] =	stream.indirect.gather [hbm4b:s8+s11], $0x20, s21, s11, $0xb8;
	[tilespmem:$0x10600] =	vst v63  }
0x86: {  	_ = 	snop  }
0x87: {  	[tilespmem:s24], [sflag:$0x1] =	stream.indirect.gather [hbm4b:s10+s11], $0x20, s23, s11, $0xb8;
	[tilespmem:$0x10600] =	vst v63  }
0x88: {  	_ = 	snop  }
0x89: {  	[tilespmem:s26], [sflag:$0x1] =	stream.indirect.gather [hbm4b:s7+s11], $0x40, s25, s11, $0xb8;
	[tilespmem:$0x10600] =	vst v63  }
0x8a: {  	_ = 	snop  }
0x8b: {  	[tilespmem:s29], [sflag:$0x1] =	stream.indirect.gather [hbm4b:s8+s11], $0x20, s28, s11, $0xb8;
	[tilespmem:$0x10600] =	vst v63  }
0x8c: {  	_ = 	snop  }
0x8d: {  	[tilespmem:s31], [sflag:$0x1] =	stream.indirect.gather [hbm4b:s10+s11], $0x20, s30, s11, $0xb8;
	[tilespmem:$0x10600] =	vst v63  }
0x8e: {  	_ =	swait.ge [sflag:s9], $0x2000  }
0x8f: {  	[sflag:s9] =	ssyncset.done $0x0  }
0x90: {  	[sflag:s9] =	ssyncadd.s32 $0xFFFFE000  }
0x91: {  	_ =	swait.ge [sflag:s9], $0x1000  }
0x92: {  	[sflag:s9] =	ssyncset.done $0x0  }
0x93: {  	[sflag:s9] =	ssyncadd.s32 $0xFFFFF000  }
0x94: {  	_ =	swait.ge [sflag:s9], $0x1000  }
0x95: {  	[sflag:s9] =	ssyncset.done $0x0  }
0x96: {  	[sflag:s9] =	ssyncadd.s32 $0xFFFFF000  }
0x97: {  	_ =	swait.ge [sflag:s9], $0x2000  }
0x98: {  	[sflag:s9] =	ssyncset.done $0x0  }
0x99: {  	[sflag:s9] =	ssyncadd.s32 $0xFFFFE000  }
0x9a: {  	_ =	swait.ge [sflag:s9], $0x1000  }
0x9b: {  	[sflag:s9] =	ssyncset.done $0x0  }
0x9c: {  	[sflag:s9] =	ssyncadd.s32 $0xFFFFF000  }
0x9d: {  	_ =	swait.ge [sflag:s9], $0x1000  }
0x9e: {  	[sflag:s9] =	ssyncset.done $0x0  }
0x9f: {  	[sflag:s9] =	ssyncadd.s32 $0xFFFFF000  }
0xa0: {  	_ =	swait.ge [sflag:s9], $0x2000  }
0xa1: {  	[sflag:s9] =	ssyncset.done $0x0  }
0xa2: {  	[sflag:s9] =	ssyncadd.s32 $0xFFFFE000  }
0xa3: {  	_ =	swait.ge [sflag:s9], $0x1000  }
0xa4: {  	[sflag:s9] =	ssyncset.done $0x0  }
0xa5: {  	[sflag:s9] =	ssyncadd.s32 $0xFFFFF000  }
0xa6: {  	_ =	swait.ge [sflag:s9], $0x1000  }
0xa7: {  	[sflag:s9] =	ssyncset.done $0x0  }
0xa8: {  	[sflag:s9] =	ssyncadd.s32 $0xFFFFF000  }
0xa9: {  	_ =	swait.ge [sflag:s9], $0x2000  }
0xaa: {  	[sflag:s9] =	ssyncset.done $0x0  }
0xab: {  	[sflag:s9] =	ssyncadd.s32 $0xFFFFE000  }
0xac: {  	_ =	swait.ge [sflag:s9], $0x1000  }
0xad: {  	[sflag:s9] =	ssyncset.done $0x0  }
0xae: {  	[sflag:s9] =	ssyncadd.s32 $0xFFFFF000  }
0xaf: {  	_ =	swait.ge [sflag:s9], $0x1000  }
0xb0: {  	[sflag:s9] =	ssyncset.done $0x0  }
0xb1: {  	s0 =	rddreg [dreg:$0x7];
	[sflag:s9] =	ssyncadd.s32 $0xFFFFF000  }
0xb2: {  	[hbm4b:s0+s2] =	stream.linear.scatter [tilespmem:s6], [sflag:$0x2], $0x8000, $0x38;
	[tilespmem:$0x10600] =	vst v63  }
0xb3: {  	_ =	swait.ge [sflag:s3], $0x8000  }
0xb4: {  	[sflag:s3] =	ssyncset.done $0x0  }
0xb5: {  	s0 =	rddreg [dreg:$0x8];
	[sflag:s3] =	ssyncadd.s32 $0xFFFF8000  }
0xb6: {  	[hbm4b:s0+s2] =	stream.linear.scatter [tilespmem:s5], [sflag:$0x2], $0x4000, $0x38;
	[tilespmem:$0x10600] =	vst v63  }
0xb7: {  	p1 =	sne.s32 s1, $0x1;
	_ =	swait.ge [sflag:s3], $0x4000  }
.Ltmp2:
0xb8: {  	[sflag:s3] =	ssyncset.done $0x0;
	(pc) =	sbr.rel @p1 .LBB2_2-.Ltmp2, $4  }
0xb9: {  	s0 =	rddreg [dreg:$0x9];
	[sflag:s3] =	ssyncadd.s32 $0xFFFFC000  }
0xba: {  	[hbm4b:s0+s2] =	stream.linear.scatter [tilespmem:s4], [sflag:$0x2], $0x4000, $0x38;
	[tilespmem:$0x10600] =	vst v63  }
0xbb: {  	_ =	swait.ge [sflag:s3], $0x4000  }
0xbc: {  	s1 =	sadd.s32 $0xFFFFFFFF, s1;
	s0 =	rddreg [dreg:$0x4];
	[sflag:s3] =	ssyncset.done $0x0  }
.LBB2_3:
0xbd: {  	[sflag:s3] =	ssyncadd.s32 @p0 $0xFFFFC000  }
0xbe: {  	[tilespmem:s2], [sflag:$0x2] =	stream.linear.gather [hbm4b:s0+s2], $0x200, $0x38;
	[tilespmem:$0x10600] =	vst v63  }
0xbf: {  	_ =	swait.ge [sflag:s3], $0x200  }
0xc0: {  	[sflag:s3] =	ssyncset.done $0x0  }
0xc1: {  	s1 =	rddreg [dreg:$0x5];
	[sflag:s3] =	ssyncadd.s32 $0xFFFFFE00  }
0xc2: {  	[tilespmem:s12], [sflag:$0x2] =	stream.linear.gather [hbm4b:s1+s2], $0x200, $0x38;
	[tilespmem:$0x10600] =	vst v63  }
0xc3: {  	_ =	swait.ge [sflag:s3], $0x200  }
0xc4: {  	[sflag:s3] =	ssyncset.done $0x0  }
0xc5: {  	s1 =	rddreg [dreg:$0x6];
	[sflag:s3] =	ssyncadd.s32 $0xFFFFFE00  }
0xc6: {  	[tilespmem:s13], [sflag:$0x2] =	stream.linear.gather [hbm4b:s1+s2], $0x200, $0x38;
	[tilespmem:$0x10600] =	vst v63  }
0xc7: {  	_ =	swait.ge [sflag:s3], $0x200  }
0xc8: {  	[sflag:s3] =	ssyncset.done $0x0  }
0xc9: {  	[sflag:s3] =	ssyncadd.s32 $0xFFFFFE00  }
0xca: {  	[tilespmem:s6], [sflag:$0x1] =	stream.indirect.gather [hbm4b:s7+s11], $0x40, s2, s11, $0xb8;
	[tilespmem:$0x10600] =	vst v63  }
0xcb: {  	_ = 	snop  }
0xcc: {  	[tilespmem:s5], [sflag:$0x1] =	stream.indirect.gather [hbm4b:s8+s11], $0x20, s12, s11, $0xb8;
	[tilespmem:$0x10600] =	vst v63  }
0xcd: {  	_ = 	snop  }
0xce: {  	[tilespmem:s4], [sflag:$0x1] =	stream.indirect.gather [hbm4b:s10+s11], $0x20, s13, s11, $0xb8;
	[tilespmem:$0x10600] =	vst v63  }
0xcf: {  	_ = 	snop  }
0xd0: {  	[tilespmem:s14], [sflag:$0x1] =	stream.indirect.gather [hbm4b:s7+s11], $0x40, s11, s11, $0xb8;
	[tilespmem:$0x10600] =	vst v63  }
0xd1: {  	_ = 	snop  }
0xd2: {  	[tilespmem:s16], [sflag:$0x1] =	stream.indirect.gather [hbm4b:s8+s11], $0x20, s15, s11, $0xb8;
	[tilespmem:$0x10600] =	vst v63  }
0xd3: {  	_ = 	snop  }
0xd4: {  	[tilespmem:s18], [sflag:$0x1] =	stream.indirect.gather [hbm4b:s10+s11], $0x20, s17, s11, $0xb8;
	[tilespmem:$0x10600] =	vst v63  }
0xd5: {  	_ = 	snop  }
0xd6: {  	[tilespmem:s20], [sflag:$0x1] =	stream.indirect.gather [hbm4b:s7+s11], $0x40, s19, s11, $0xb8;
	[tilespmem:$0x10600] =	vst v63  }
0xd7: {  	_ = 	snop  }
0xd8: {  	[tilespmem:s22], [sflag:$0x1] =	stream.indirect.gather [hbm4b:s8+s11], $0x20, s21, s11, $0xb8;
	[tilespmem:$0x10600] =	vst v63  }
0xd9: {  	_ = 	snop  }
0xda: {  	[tilespmem:s24], [sflag:$0x1] =	stream.indirect.gather [hbm4b:s10+s11], $0x20, s23, s11, $0xb8;
	[tilespmem:$0x10600] =	vst v63  }
0xdb: {  	_ = 	snop  }
0xdc: {  	[tilespmem:s26], [sflag:$0x1] =	stream.indirect.gather [hbm4b:s7+s11], $0x40, s25, s11, $0xb8;
	[tilespmem:$0x10600] =	vst v63  }
0xdd: {  	_ = 	snop  }
0xde: {  	[tilespmem:s29], [sflag:$0x1] =	stream.indirect.gather [hbm4b:s8+s11], $0x20, s28, s11, $0xb8;
	[tilespmem:$0x10600] =	vst v63  }
0xdf: {  	_ = 	snop  }
0xe0: {  	[tilespmem:s31], [sflag:$0x1] =	stream.indirect.gather [hbm4b:s10+s11], $0x20, s30, s11, $0xb8;
	[tilespmem:$0x10600] =	vst v63  }
0xe1: {  	_ =	swait.ge [sflag:s9], $0x2000  }
0xe2: {  	[sflag:s9] =	ssyncset.done $0x0  }
0xe3: {  	[sflag:s9] =	ssyncadd.s32 $0xFFFFE000  }
0xe4: {  	_ =	swait.ge [sflag:s9], $0x1000  }
0xe5: {  	[sflag:s9] =	ssyncset.done $0x0  }
0xe6: {  	[sflag:s9] =	ssyncadd.s32 $0xFFFFF000  }
0xe7: {  	_ =	swait.ge [sflag:s9], $0x1000  }
0xe8: {  	[sflag:s9] =	ssyncset.done $0x0  }
0xe9: {  	[sflag:s9] =	ssyncadd.s32 $0xFFFFF000  }
0xea: {  	_ =	swait.ge [sflag:s9], $0x2000  }
0xeb: {  	[sflag:s9] =	ssyncset.done $0x0  }
0xec: {  	[sflag:s9] =	ssyncadd.s32 $0xFFFFE000  }
0xed: {  	_ =	swait.ge [sflag:s9], $0x1000  }
0xee: {  	[sflag:s9] =	ssyncset.done $0x0  }
0xef: {  	[sflag:s9] =	ssyncadd.s32 $0xFFFFF000  }
0xf0: {  	_ =	swait.ge [sflag:s9], $0x1000  }
0xf1: {  	[sflag:s9] =	ssyncset.done $0x0  }
0xf2: {  	[sflag:s9] =	ssyncadd.s32 $0xFFFFF000  }
0xf3: {  	_ =	swait.ge [sflag:s9], $0x2000  }
0xf4: {  	[sflag:s9] =	ssyncset.done $0x0  }
0xf5: {  	[sflag:s9] =	ssyncadd.s32 $0xFFFFE000  }
0xf6: {  	_ =	swait.ge [sflag:s9], $0x1000  }
0xf7: {  	[sflag:s9] =	ssyncset.done $0x0  }
0xf8: {  	[sflag:s9] =	ssyncadd.s32 $0xFFFFF000  }
0xf9: {  	_ =	swait.ge [sflag:s9], $0x1000  }
0xfa: {  	[sflag:s9] =	ssyncset.done $0x0  }
0xfb: {  	[sflag:s9] =	ssyncadd.s32 $0xFFFFF000  }
0xfc: {  	_ =	swait.ge [sflag:s9], $0x2000  }
0xfd: {  	[sflag:s9] =	ssyncset.done $0x0  }
0xfe: {  	[sflag:s9] =	ssyncadd.s32 $0xFFFFE000  }
0xff: {  	_ =	swait.ge [sflag:s9], $0x1000  }
0x100: {  	[sflag:s9] =	ssyncset.done $0x0  }
0x101: {  	[sflag:s9] =	ssyncadd.s32 $0xFFFFF000  }
0x102: {  	_ =	swait.ge [sflag:s9], $0x1000  }
0x103: {  	[sflag:s9] =	ssyncset.done $0x0  }
0x104: {  	s28 =	rddreg [dreg:$0x7];
	[sflag:s9] =	ssyncadd.s32 $0xFFFFF000  }
0x105: {  	[hbm4b:s28+s2] =	stream.linear.scatter [tilespmem:s6], [sflag:$0x2], $0x8000, $0x38;
	[tilespmem:$0x10600] =	vst v63  }
0x106: {  	_ =	swait.ge [sflag:s3], $0x8000  }
0x107: {  	[sflag:s3] =	ssyncset.done $0x0  }
0x108: {  	s29 =	rddreg [dreg:$0x8];
	[sflag:s3] =	ssyncadd.s32 $0xFFFF8000  }
0x109: {  	[hbm4b:s29+s2] =	stream.linear.scatter [tilespmem:s5], [sflag:$0x2], $0x4000, $0x38;
	[tilespmem:$0x10600] =	vst v63  }
0x10a: {  	_ =	swait.ge [sflag:s3], $0x4000  }
0x10b: {  	[sflag:s3] =	ssyncset.done $0x0  }
0x10c: {  	s30 =	rddreg [dreg:$0x9];
	[sflag:s3] =	ssyncadd.s32 $0xFFFFC000  }
0x10d: {  	[hbm4b:s30+s2] =	stream.linear.scatter [tilespmem:s4], [sflag:$0x2], $0x4000, $0x38;
	[tilespmem:$0x10600] =	vst v63  }
0x10e: {  	_ =	swait.ge [sflag:s3], $0x4000  }
0x10f: {  	[sflag:s3] =	ssyncset.done $0x0  }
0x110: {  	[sflag:s3] =	ssyncadd.s32 $0xFFFFC000  }
0x111: {  	_ =	sfence.sel $0x180000  }
0x112: {  	[bflag:$0x0] =	sbarrier.arrive $0xFFFF  }
0x113: {  	_ =	strace $0x9000004A  }
0x114: {  	s31 =	stileid.u32;
	[bflag:$0x2] =	sbarrier.arrive $0xFFFF  }
0x115: {  	p0 =	sne.s32 s31, $0x0;
	s0 =	rddreg [dreg:$0x3]  }
0x116: {  	s0 =	sadd.s32 @!p0 $0x100000, s0  }
0x117: {  	[sflag:s0] =	ssyncadd.tile.s32 @!p0 $0x1;
	_ =	shalt  }
.Lfunc_end2:
_tile_overlayer_lowered:
.L_overlay_start_2:
0x118: {  	(tag) =	ssettag $0x2  }
0x119: {  	s0 =	rddreg [dreg:$0x0];
	s2 =	stileid.u32  }
0x11a: {  	s1 =	rddreg [dreg:$0x1];
	p0 =	sne.s32 s2, $0x0  }
0x11b: {  	s3 =	rddreg [dreg:$0x2];
	[bflag:$0x3] =	sbarrier.arrive $0xFFFF;
	s2 =	simm.s32 @!p0 $0x1C02  }
0x11c: {  	[timem:s3], [sflag:s2] =	dma.local @!p0 [hbm:s0], s1  }
0x11d: {  	s0 =	simm.s32 @!p0 $0x2  }
0x11e: {  	_ =	swait.ge @!p0 [sflag:s0], s1  }
0x11f: {  	s1 =	ssub.s32 @!p0 $0x0, s1;
	[sflag:s0] =	ssyncset.done @!p0 $0x0  }
0x120: {  	[sflag:s0] =	ssyncadd.s32 @!p0 s1  }
0x121: {  	[bflag:$0x3] =	sbarrier.arrive $0xFFFF  }
0x122: {  	_ =	shalt  }

</sc_bundles>
